<compile_context>
chip_gen: v7x
topology: tpu7x:2x2x1
jax: 0.10.2.dev20260603
libtpu: 0.0.44.dev20260713+nightly
codegen_flags: <defaults>
</compile_context>

<pallas_src>
import functools

import jax
import jax.numpy as jnp
from jax import lax
from jax.experimental import pallas as pl
from jax.experimental.pallas import tpu as pltpu
from jax.experimental.pallas import tpu_sc as plsc

V = 1000
D = 128
B = 1024
L = 20
VP = 1024
KC = VP // 128
N = B * L

_INFO = plsc.get_sparse_core_info()
_NC = _INFO.num_cores
_NS = _INFO.num_subcores
LN = _INFO.num_lanes
NW = _NC * _NS
BW = B // NW
EW = BW * L
RW = EW // 128


def _ht_body(emb_ref, w_ref, ht_ref):
    a = lax.dot_general(w_ref[...], emb_ref[...], (((1,), (1,)), ((), ())),
                        preferred_element_type=jnp.float32)
    m = jnp.max(a, axis=0, keepdims=True)
    lz = m + jnp.log(jnp.sum(jnp.exp(a - m), axis=0, keepdims=True))
    h = lz - a
    for k in range(KC - 1):
        ht_ref[k, :, :] = h[:, 128 * k:128 * (k + 1)]
    ht_ref[KC - 1, :, pl.ds(0, V - 128 * (KC - 1))] = h[:, 128 * (KC - 1):V]


_ht_call = pl.pallas_call(
    _ht_body,
    out_shape=jax.ShapeDtypeStruct((KC, V, 128), jnp.float32),
)


_mesh = plsc.VectorSubcoreMesh(core_axis_name="c", subcore_axis_name="s")


@functools.partial(
    pl.kernel,
    mesh=_mesh,
    compiler_params=pltpu.CompilerParams(use_tc_tiling_on_sc=False,
                                         needs_layout_passes=False),
    out_type=jax.ShapeDtypeStruct((NW * LN,), jnp.float32),
    scratch_types=[
        pltpu.VMEM((EW,), jnp.int32),
        pltpu.VMEM((BW,), jnp.int32),
        pltpu.VMEM((RW, 128), jnp.float32),
        pltpu.VMEM((LN,), jnp.float32),
        pltpu.SemaphoreType.DMA,
    ],
)
def _sc_gather(htf_hbm, ctx_hbm, ctr_hbm, out_hbm, idx_v, ctr_v, hv, acc_v, sem):
    wid = lax.axis_index("s") * _NC + lax.axis_index("c")
    pltpu.sync_copy(ctx_hbm.at[pl.ds(wid * EW, EW)], idx_v)
    pltpu.sync_copy(ctr_hbm.at[pl.ds(wid * BW, BW)], ctr_v)

    lane = lax.iota(jnp.int32, LN)

    def fbody(j, _):
        p = j * LN + lane
        c = plsc.load_gather(ctr_v, [p // L])
        i = idx_v[pl.ds(j * LN, LN)]
        idx_v[pl.ds(j * LN, LN)] = (i >> 7) * (V * 128) + (i & 127) + c * 128
        return 0

    lax.fori_loop(0, EW // LN, fbody, 0)

    cps = [pltpu.async_copy(htf_hbm.at[idx_v.at[pl.ds(r * 128, 128)]],
                            hv.at[r], sem)
           for r in range(RW)]
    for cp in cps:
        cp.wait()
    acc = jnp.zeros((LN,), jnp.float32)
    for r in range(RW):
        for c in range(128 // LN):
            acc = acc + hv[r, pl.ds(c * LN, LN)]
    acc_v[...] = acc
    pltpu.sync_copy(acc_v, out_hbm.at[pl.ds(wid * LN, LN)])


def _fin_body(p_ref, o_ref):
    o_ref[...] = jnp.sum(p_ref[...]).reshape(1, 1) * (1.0 / N)


_fin_call = pl.pallas_call(
    _fin_body,
    out_shape=jax.ShapeDtypeStruct((1, 1), jnp.float32),
)


def kernel(center, context, emb_in, W_out):
    ht = _ht_call(emb_in, W_out)
    parts = _sc_gather(ht.reshape(KC * V * 128), context.reshape(N), center)
    return _fin_call(parts)[0, 0]

# --- scband reference (transcript-rebuilt; emitter-appended) ---
"""Pipeline reference for scband-w2-v-sm-59957743452379 (READ-ONLY COPY).

The authoritative reference and input builder live on the scoring server;
editing this copy changes nothing except your own understanding.
"""

import jax, jax.numpy as jnp
import numpy as np

V = 1000
D = 128
B = 1024
L = 20

def setup_inputs(seed: int = 0) -> dict:
    key = jax.random.key(seed)
    k1, k2, k3, k4 = jax.random.split(key, 4)
    center = jax.random.randint(k1, (B,), 0, V)
    context = jax.random.randint(k2, (B, L), 0, V)
    emb_in = jax.random.uniform(k3, (V, D), minval=-0.01, maxval=0.01, dtype=jnp.float32)
    W_out = jax.random.uniform(k4, (V, D), minval=-0.01, maxval=0.01, dtype=jnp.float32)
    return {"center": center, "context": context, "emb_in": emb_in, "W_out": W_out}

def reference(center, context, emb_in, W_out):
    # emb_context = self.emb_in(context)  -> gather rows
    emb_context = jnp.take(emb_in, context, axis=0)  # (B, L, D)
    b, l, d = emb_context.shape
    # center.unsqueeze_(1).expand(B, L) then flatten
    labels = jnp.broadcast_to(center[:, None], (b, l)).reshape(b * l)
    flat = emb_context.reshape(b * l, d)
    # pred = self.emb_out(emb_context): Linear(D -> V, bias=False), weight (V, D)
    logits = flat @ W_out.T  # (B*L, V)
    # F.cross_entropy with mean reduction
    logz = jax.nn.logsumexp(logits, axis=-1)
    picked = jnp.take_along_axis(logits, labels[:, None], axis=1)[:, 0]
    loss = jnp.mean(logz - picked)
    return loss

if __name__ == "__main__":
    import jax
    _d = setup_inputs()
    print(jax.jit(kernel)(*tuple(_d.values())))

</pallas_src>

<mosaic_0001>
#map = affine_map<(d0, d1) -> (0)>
module attributes {stable_mosaic.version = 14 : i64} {
  func.func @_sc_gather(%arg0: i32, %arg1: i32, %arg2: memref<1024000xf32, #tpu.memory_space<hbm>>, %arg3: memref<20480xi32, #tpu.memory_space<hbm>>, %arg4: memref<1024xi32, #tpu.memory_space<hbm>>, %arg5: memref<512xf32, #tpu.memory_space<hbm>>, %arg6: memref<640xi32, #tpu.memory_space<vmem>>, %arg7: memref<32xi32, #tpu.memory_space<vmem>>, %arg8: memref<5x128xf32, #tpu.memory_space<vmem>>, %arg9: memref<16xf32, #tpu.memory_space<vmem>>, %arg10: memref<!tpu.dma_semaphore, #tpu.memory_space<semaphore_mem>>) attributes {dimension_semantics = [#tpu.dimension_semantics<core_parallel>, #tpu.dimension_semantics<subcore_parallel>], iteration_bounds = array<i64: 2, 16>, scalar_prefetch = 0 : i64, scratch_operands = 5 : i64, tpu.core_type = #tpu.core_type<sc_vector_subcore>, window_params = [{transform_indices = #map}, {transform_indices = #map}, {transform_indices = #map}, {transform_indices = #map}]} {
    %mul3A = arith.constant 2 : i32
    %mul3A_0 = arith.muli %arg1, %mul3A : i32
    %add3A = arith.addi %mul3A_0, %arg0 : i32
    %mul3A_1 = arith.constant 640 : i32
    %mul3A_2 = arith.muli %add3A, %mul3A_1 : i32
    "tpu.region"() ({
      %run_scoped3A = tpu.sem_alloc : memref<!tpu.dma_semaphore, #tpu.memory_space<semaphore_mem>>
      %dma_start3A_292 = tpu.memref_slice %arg3[%mul3A_2] : memref<20480xi32, #tpu.memory_space<hbm>> -> memref<640xi32, #tpu.memory_space<hbm>>
      %dma_start3A_293 = tpu.memref_slice %arg3[%mul3A_2] : memref<20480xi32, #tpu.memory_space<hbm>> -> memref<640xi32, #tpu.memory_space<hbm>>
      tpu.enqueue_dma source(%dma_start3A_293 : memref<640xi32, #tpu.memory_space<hbm>>) target(%arg6 : memref<640xi32, #tpu.memory_space<vmem>>) target_semaphore(%run_scoped3A : memref<!tpu.dma_semaphore, #tpu.memory_space<semaphore_mem>>)
      %dma_wait3A_294 = tpu.memref_slice %arg3[%mul3A_2] : memref<20480xi32, #tpu.memory_space<hbm>> -> memref<640xi32, #tpu.memory_space<hbm>>
      %dma_wait3A_295 = tpu.memref_slice %arg3[%mul3A_2] : memref<20480xi32, #tpu.memory_space<hbm>> -> memref<640xi32, #tpu.memory_space<hbm>>
      tpu.wait_dma2 semaphore(%run_scoped3A : memref<!tpu.dma_semaphore, #tpu.memory_space<semaphore_mem>>) src(%dma_wait3A_295 : memref<640xi32, #tpu.memory_space<hbm>>) dst(%arg6 : memref<640xi32, #tpu.memory_space<vmem>>)
      tpu.yield
    }) : () -> ()
    %mul3A_3 = arith.constant 32 : i32
    %mul3A_4 = arith.muli %add3A, %mul3A_3 : i32
    "tpu.region"() ({
      %run_scoped3A = tpu.sem_alloc : memref<!tpu.dma_semaphore, #tpu.memory_space<semaphore_mem>>
      %dma_start3A_292 = tpu.memref_slice %arg4[%mul3A_4] : memref<1024xi32, #tpu.memory_space<hbm>> -> memref<32xi32, #tpu.memory_space<hbm>>
      %dma_start3A_293 = tpu.memref_slice %arg4[%mul3A_4] : memref<1024xi32, #tpu.memory_space<hbm>> -> memref<32xi32, #tpu.memory_space<hbm>>
      tpu.enqueue_dma source(%dma_start3A_293 : memref<32xi32, #tpu.memory_space<hbm>>) target(%arg7 : memref<32xi32, #tpu.memory_space<vmem>>) target_semaphore(%run_scoped3A : memref<!tpu.dma_semaphore, #tpu.memory_space<semaphore_mem>>)
      %dma_wait3A_294 = tpu.memref_slice %arg4[%mul3A_4] : memref<1024xi32, #tpu.memory_space<hbm>> -> memref<32xi32, #tpu.memory_space<hbm>>
      %dma_wait3A_295 = tpu.memref_slice %arg4[%mul3A_4] : memref<1024xi32, #tpu.memory_space<hbm>> -> memref<32xi32, #tpu.memory_space<hbm>>
      tpu.wait_dma2 semaphore(%run_scoped3A : memref<!tpu.dma_semaphore, #tpu.memory_space<semaphore_mem>>) src(%dma_wait3A_295 : memref<32xi32, #tpu.memory_space<hbm>>) dst(%arg7 : memref<32xi32, #tpu.memory_space<vmem>>)
      tpu.yield
    }) : () -> ()
    %iota3A = tpu.iota {dimensions = array<i32: 0>} : vector<16xi32>
    %scan3A = arith.constant 0 : i32
    %scan3A_5 = arith.constant 0 : i32
    %scan3A_6 = arith.constant 40 : i32
    %scan3A_7 = arith.addi %scan3A_5, %scan3A_6 : i32
    %scan3A_8 = arith.constant 1 : i32
    %scan3A_9 = scf.for %scan3A_292 = %scan3A_5 to %scan3A_7 step %scan3A_8 iter_args(%scan3A_293 = %scan3A) -> (i32)  : i32 {
      %mul3A_294 = arith.constant 16 : i32
      %mul3A_295 = arith.muli %scan3A_292, %mul3A_294 : i32
      %add3A_296 = vector.broadcast %mul3A_295 : i32 to vector<16xi32>
      %add3A_297 = arith.addi %add3A_296, %iota3A : vector<16xi32>
      %jit3A = arith.constant 20 : i32
      %div3A = vector.broadcast %jit3A : i32 to vector<16xi32>
      %div3A_298 = arith.divsi %add3A_297, %div3A : vector<16xi32>
      %sign3A = arith.constant 0 : i32
      %sign3A_299 = vector.broadcast %sign3A : i32 to vector<16xi32>
      %sign3A_300 = arith.cmpi sgt, %add3A_297, %sign3A_299 : vector<16xi32>
      %sign3A_301 = arith.extui %sign3A_300 : vector<16xi1> to vector<16xi32>
      %sign3A_302 = arith.constant 0 : i32
      %sign3A_303 = vector.broadcast %sign3A_302 : i32 to vector<16xi32>
      %sign3A_304 = arith.cmpi slt, %add3A_297, %sign3A_303 : vector<16xi32>
      %sign3A_305 = arith.extui %sign3A_304 : vector<16xi1> to vector<16xi32>
      %sign3A_306 = arith.subi %sign3A_301, %sign3A_305 : vector<16xi32>
      %sign3A_307 = arith.constant 0 : i32
      %sign3A_308 = arith.cmpi sgt, %jit3A, %sign3A_307 : i32
      %sign3A_309 = arith.extui %sign3A_308 : i1 to i32
      %sign3A_310 = arith.constant 0 : i32
      %sign3A_311 = arith.cmpi slt, %jit3A, %sign3A_310 : i32
      %sign3A_312 = arith.extui %sign3A_311 : i1 to i32
      %sign3A_313 = arith.subi %sign3A_309, %sign3A_312 : i32
      %ne3A = vector.broadcast %sign3A_313 : i32 to vector<16xi32>
      %ne3A_314 = arith.cmpi ne, %sign3A_306, %ne3A : vector<16xi32>
      %rem3A = vector.broadcast %jit3A : i32 to vector<16xi32>
      %rem3A_315 = arith.remsi %add3A_297, %rem3A : vector<16xi32>
      %ne3A_316 = arith.constant 0 : i32
      %ne3A_317 = vector.broadcast %ne3A_316 : i32 to vector<16xi32>
      %ne3A_318 = arith.cmpi ne, %rem3A_315, %ne3A_317 : vector<16xi32>
      %and3A = arith.andi %ne3A_314, %ne3A_318 : vector<16xi1>
      %sub3A = arith.constant 1 : i32
      %sub3A_319 = vector.broadcast %sub3A : i32 to vector<16xi32>
      %sub3A_320 = arith.subi %div3A_298, %sub3A_319 : vector<16xi32>
      %select_n3A = arith.select %and3A, %sub3A_320, %div3A_298 : vector<16xi1>, vector<16xi32>
      %gather3A = tpu.vector_load_idx %arg7[%select_n3A] : memref<32xi32, #tpu.memory_space<vmem>>[vector<16xi32>], vector<16xi32>,
      %mul3A_321 = arith.constant 16 : i32
      %mul3A_322 = arith.muli %scan3A_292, %mul3A_321 : i32
      %get3A_323 = arith.index_cast %mul3A_322 : i32 to index
      %get3A_324 = tpu.vector_load %arg6[%get3A_323] {strides = array<i32>} : memref<640xi32, #tpu.memory_space<vmem>>, vector<16xi32>,
      %shift_right_arithmetic3A = arith.constant 7 : i32
      %shift_right_arithmetic3A_325 = vector.broadcast %shift_right_arithmetic3A : i32 to vector<16xi32>
      %shift_right_arithmetic3A_326 = arith.shrsi %get3A_324, %shift_right_arithmetic3A_325 : vector<16xi32>
      %mul3A_327 = arith.constant 128000 : i32
      %mul3A_328 = vector.broadcast %mul3A_327 : i32 to vector<16xi32>
      %mul3A_329 = arith.muli %shift_right_arithmetic3A_326, %mul3A_328 : vector<16xi32>
      %and3A_330 = arith.constant 127 : i32
      %and3A_331 = vector.broadcast %and3A_330 : i32 to vector<16xi32>
      %and3A_332 = arith.andi %get3A_324, %and3A_331 : vector<16xi32>
      %add3A_333 = arith.addi %mul3A_329, %and3A_332 : vector<16xi32>
      %mul3A_334 = arith.constant 128 : i32
      %mul3A_335 = vector.broadcast %mul3A_334 : i32 to vector<16xi32>
      %mul3A_336 = arith.muli %gather3A, %mul3A_335 : vector<16xi32>
      %add3A_337 = arith.addi %add3A_333, %mul3A_336 : vector<16xi32>
      %mul3A_338 = arith.constant 16 : i32
      %mul3A_339 = arith.muli %scan3A_292, %mul3A_338 : i32
      %swap3A_340 = arith.index_cast %mul3A_339 : i32 to index
      %swap3A_341 = tpu.vector_load %arg6[%swap3A_340] {strides = array<i32>} : memref<640xi32, #tpu.memory_space<vmem>>, vector<16xi32>,
      tpu.vector_store %arg6[%swap3A_340], %add3A_337 {strides = array<i32>} : memref<640xi32, #tpu.memory_space<vmem>>, vector<16xi32>,
      %scan3A_342 = arith.constant 0 : i32
      scf.yield %scan3A_342 : i32
    }
    %scan3A_10 = arith.constant 40 : i32
    %dma_start3A = arith.constant 0 : i32
    %dma_start3A_11 = arith.constant 0 : i32
    %dma_start3A_12 = tpu.memref_slice %arg8[%dma_start3A, %dma_start3A_11] : memref<5x128xf32, #tpu.memory_space<vmem>> -> memref<1x128xf32, #tpu.memory_space<vmem>>
    %dma_start3A_13 = tpu.memref_squeeze %dma_start3A_12 : memref<1x128xf32, #tpu.memory_space<vmem>> -> memref<128xf32, #tpu.memory_space<vmem>>
    %dma_start3A_14 = arith.constant 0 : i32
    %dma_start3A_15 = tpu.memref_slice %arg6[%dma_start3A_14] : memref<640xi32, #tpu.memory_space<vmem>> -> memref<128xi32, #tpu.memory_space<vmem>>
    %dma_start3A_16 = arith.constant 0 : i32
    %dma_start3A_17 = tpu.memref_slice %arg2[%dma_start3A_16] : memref<1024000xf32, #tpu.memory_space<hbm>> -> memref<1024000xf32, #tpu.memory_space<hbm>>
    tpu.enqueue_indirect_dma source(%dma_start3A_17 : memref<1024000xf32, #tpu.memory_space<hbm>>) target(%dma_start3A_13 : memref<128xf32, #tpu.memory_space<vmem>>) offsets(%dma_start3A_15 : memref<128xi32, #tpu.memory_space<vmem>>) semaphore(%arg10 : memref<!tpu.dma_semaphore, #tpu.memory_space<semaphore_mem>>)
    %dma_start3A_18 = arith.constant 1 : i32
    %dma_start3A_19 = arith.constant 0 : i32
    %dma_start3A_20 = tpu.memref_slice %arg8[%dma_start3A_18, %dma_start3A_19] : memref<5x128xf32, #tpu.memory_space<vmem>> -> memref<1x128xf32, #tpu.memory_space<vmem>>
    %dma_start3A_21 = tpu.memref_squeeze %dma_start3A_20 : memref<1x128xf32, #tpu.memory_space<vmem>> -> memref<128xf32, #tpu.memory_space<vmem>>
    %dma_start3A_22 = arith.constant 128 : i32
    %dma_start3A_23 = tpu.memref_slice %arg6[%dma_start3A_22] : memref<640xi32, #tpu.memory_space<vmem>> -> memref<128xi32, #tpu.memory_space<vmem>>
    %dma_start3A_24 = arith.constant 0 : i32
    %dma_start3A_25 = tpu.memref_slice %arg2[%dma_start3A_24] : memref<1024000xf32, #tpu.memory_space<hbm>> -> memref<1024000xf32, #tpu.memory_space<hbm>>
    tpu.enqueue_indirect_dma source(%dma_start3A_25 : memref<1024000xf32, #tpu.memory_space<hbm>>) target(%dma_start3A_21 : memref<128xf32, #tpu.memory_space<vmem>>) offsets(%dma_start3A_23 : memref<128xi32, #tpu.memory_space<vmem>>) semaphore(%arg10 : memref<!tpu.dma_semaphore, #tpu.memory_space<semaphore_mem>>)
    %dma_start3A_26 = arith.constant 2 : i32
    %dma_start3A_27 = arith.constant 0 : i32
    %dma_start3A_28 = tpu.memref_slice %arg8[%dma_start3A_26, %dma_start3A_27] : memref<5x128xf32, #tpu.memory_space<vmem>> -> memref<1x128xf32, #tpu.memory_space<vmem>>
    %dma_start3A_29 = tpu.memref_squeeze %dma_start3A_28 : memref<1x128xf32, #tpu.memory_space<vmem>> -> memref<128xf32, #tpu.memory_space<vmem>>
    %dma_start3A_30 = arith.constant 256 : i32
    %dma_start3A_31 = tpu.memref_slice %arg6[%dma_start3A_30] : memref<640xi32, #tpu.memory_space<vmem>> -> memref<128xi32, #tpu.memory_space<vmem>>
    %dma_start3A_32 = arith.constant 0 : i32
    %dma_start3A_33 = tpu.memref_slice %arg2[%dma_start3A_32] : memref<1024000xf32, #tpu.memory_space<hbm>> -> memref<1024000xf32, #tpu.memory_space<hbm>>
    tpu.enqueue_indirect_dma source(%dma_start3A_33 : memref<1024000xf32, #tpu.memory_space<hbm>>) target(%dma_start3A_29 : memref<128xf32, #tpu.memory_space<vmem>>) offsets(%dma_start3A_31 : memref<128xi32, #tpu.memory_space<vmem>>) semaphore(%arg10 : memref<!tpu.dma_semaphore, #tpu.memory_space<semaphore_mem>>)
    %dma_start3A_34 = arith.constant 3 : i32
    %dma_start3A_35 = arith.constant 0 : i32
    %dma_start3A_36 = tpu.memref_slice %arg8[%dma_start3A_34, %dma_start3A_35] : memref<5x128xf32, #tpu.memory_space<vmem>> -> memref<1x128xf32, #tpu.memory_space<vmem>>
    %dma_start3A_37 = tpu.memref_squeeze %dma_start3A_36 : memref<1x128xf32, #tpu.memory_space<vmem>> -> memref<128xf32, #tpu.memory_space<vmem>>
    %dma_start3A_38 = arith.constant 384 : i32
    %dma_start3A_39 = tpu.memref_slice %arg6[%dma_start3A_38] : memref<640xi32, #tpu.memory_space<vmem>> -> memref<128xi32, #tpu.memory_space<vmem>>
    %dma_start3A_40 = arith.constant 0 : i32
    %dma_start3A_41 = tpu.memref_slice %arg2[%dma_start3A_40] : memref<1024000xf32, #tpu.memory_space<hbm>> -> memref<1024000xf32, #tpu.memory_space<hbm>>
    tpu.enqueue_indirect_dma source(%dma_start3A_41 : memref<1024000xf32, #tpu.memory_space<hbm>>) target(%dma_start3A_37 : memref<128xf32, #tpu.memory_space<vmem>>) offsets(%dma_start3A_39 : memref<128xi32, #tpu.memory_space<vmem>>) semaphore(%arg10 : memref<!tpu.dma_semaphore, #tpu.memory_space<semaphore_mem>>)
    %dma_start3A_42 = arith.constant 4 : i32
    %dma_start3A_43 = arith.constant 0 : i32
    %dma_start3A_44 = tpu.memref_slice %arg8[%dma_start3A_42, %dma_start3A_43] : memref<5x128xf32, #tpu.memory_space<vmem>> -> memref<1x128xf32, #tpu.memory_space<vmem>>
    %dma_start3A_45 = tpu.memref_squeeze %dma_start3A_44 : memref<1x128xf32, #tpu.memory_space<vmem>> -> memref<128xf32, #tpu.memory_space<vmem>>
    %dma_start3A_46 = arith.constant 512 : i32
    %dma_start3A_47 = tpu.memref_slice %arg6[%dma_start3A_46] : memref<640xi32, #tpu.memory_space<vmem>> -> memref<128xi32, #tpu.memory_space<vmem>>
    %dma_start3A_48 = arith.constant 0 : i32
    %dma_start3A_49 = tpu.memref_slice %arg2[%dma_start3A_48] : memref<1024000xf32, #tpu.memory_space<hbm>> -> memref<1024000xf32, #tpu.memory_space<hbm>>
    tpu.enqueue_indirect_dma source(%dma_start3A_49 : memref<1024000xf32, #tpu.memory_space<hbm>>) target(%dma_start3A_45 : memref<128xf32, #tpu.memory_space<vmem>>) offsets(%dma_start3A_47 : memref<128xi32, #tpu.memory_space<vmem>>) semaphore(%arg10 : memref<!tpu.dma_semaphore, #tpu.memory_space<semaphore_mem>>)
    %dma_wait3A = arith.constant 0 : i32
    %dma_wait3A_50 = arith.constant 0 : i32
    %dma_wait3A_51 = tpu.memref_slice %arg8[%dma_wait3A, %dma_wait3A_50] : memref<5x128xf32, #tpu.memory_space<vmem>> -> memref<1x128xf32, #tpu.memory_space<vmem>>
    %dma_wait3A_52 = tpu.memref_squeeze %dma_wait3A_51 : memref<1x128xf32, #tpu.memory_space<vmem>> -> memref<128xf32, #tpu.memory_space<vmem>>
    %dma_wait3A_53 = arith.constant 0 : i32
    %dma_wait3A_54 = tpu.memref_slice %arg6[%dma_wait3A_53] : memref<640xi32, #tpu.memory_space<vmem>> -> memref<128xi32, #tpu.memory_space<vmem>>
    %dma_wait3A_55 = arith.constant 0 : i32
    %dma_wait3A_56 = tpu.memref_slice %arg2[%dma_wait3A_55] : memref<1024000xf32, #tpu.memory_space<hbm>> -> memref<1024000xf32, #tpu.memory_space<hbm>>
    tpu.wait_indirect_dma semaphore(%arg10 : memref<!tpu.dma_semaphore, #tpu.memory_space<semaphore_mem>>) src(%dma_wait3A_56 : memref<1024000xf32, #tpu.memory_space<hbm>>) dst(%dma_wait3A_52 : memref<128xf32, #tpu.memory_space<vmem>>)
    %dma_wait3A_57 = arith.constant 1 : i32
    %dma_wait3A_58 = arith.constant 0 : i32
    %dma_wait3A_59 = tpu.memref_slice %arg8[%dma_wait3A_57, %dma_wait3A_58] : memref<5x128xf32, #tpu.memory_space<vmem>> -> memref<1x128xf32, #tpu.memory_space<vmem>>
    %dma_wait3A_60 = tpu.memref_squeeze %dma_wait3A_59 : memref<1x128xf32, #tpu.memory_space<vmem>> -> memref<128xf32, #tpu.memory_space<vmem>>
    %dma_wait3A_61 = arith.constant 128 : i32
    %dma_wait3A_62 = tpu.memref_slice %arg6[%dma_wait3A_61] : memref<640xi32, #tpu.memory_space<vmem>> -> memref<128xi32, #tpu.memory_space<vmem>>
    %dma_wait3A_63 = arith.constant 0 : i32
    %dma_wait3A_64 = tpu.memref_slice %arg2[%dma_wait3A_63] : memref<1024000xf32, #tpu.memory_space<hbm>> -> memref<1024000xf32, #tpu.memory_space<hbm>>
    tpu.wait_indirect_dma semaphore(%arg10 : memref<!tpu.dma_semaphore, #tpu.memory_space<semaphore_mem>>) src(%dma_wait3A_64 : memref<1024000xf32, #tpu.memory_space<hbm>>) dst(%dma_wait3A_60 : memref<128xf32, #tpu.memory_space<vmem>>)
    %dma_wait3A_65 = arith.constant 2 : i32
    %dma_wait3A_66 = arith.constant 0 : i32
    %dma_wait3A_67 = tpu.memref_slice %arg8[%dma_wait3A_65, %dma_wait3A_66] : memref<5x128xf32, #tpu.memory_space<vmem>> -> memref<1x128xf32, #tpu.memory_space<vmem>>
    %dma_wait3A_68 = tpu.memref_squeeze %dma_wait3A_67 : memref<1x128xf32, #tpu.memory_space<vmem>> -> memref<128xf32, #tpu.memory_space<vmem>>
    %dma_wait3A_69 = arith.constant 256 : i32
    %dma_wait3A_70 = tpu.memref_slice %arg6[%dma_wait3A_69] : memref<640xi32, #tpu.memory_space<vmem>> -> memref<128xi32, #tpu.memory_space<vmem>>
    %dma_wait3A_71 = arith.constant 0 : i32
    %dma_wait3A_72 = tpu.memref_slice %arg2[%dma_wait3A_71] : memref<1024000xf32, #tpu.memory_space<hbm>> -> memref<1024000xf32, #tpu.memory_space<hbm>>
    tpu.wait_indirect_dma semaphore(%arg10 : memref<!tpu.dma_semaphore, #tpu.memory_space<semaphore_mem>>) src(%dma_wait3A_72 : memref<1024000xf32, #tpu.memory_space<hbm>>) dst(%dma_wait3A_68 : memref<128xf32, #tpu.memory_space<vmem>>)
    %dma_wait3A_73 = arith.constant 3 : i32
    %dma_wait3A_74 = arith.constant 0 : i32
    %dma_wait3A_75 = tpu.memref_slice %arg8[%dma_wait3A_73, %dma_wait3A_74] : memref<5x128xf32, #tpu.memory_space<vmem>> -> memref<1x128xf32, #tpu.memory_space<vmem>>
    %dma_wait3A_76 = tpu.memref_squeeze %dma_wait3A_75 : memref<1x128xf32, #tpu.memory_space<vmem>> -> memref<128xf32, #tpu.memory_space<vmem>>
    %dma_wait3A_77 = arith.constant 384 : i32
    %dma_wait3A_78 = tpu.memref_slice %arg6[%dma_wait3A_77] : memref<640xi32, #tpu.memory_space<vmem>> -> memref<128xi32, #tpu.memory_space<vmem>>
    %dma_wait3A_79 = arith.constant 0 : i32
    %dma_wait3A_80 = tpu.memref_slice %arg2[%dma_wait3A_79] : memref<1024000xf32, #tpu.memory_space<hbm>> -> memref<1024000xf32, #tpu.memory_space<hbm>>
    tpu.wait_indirect_dma semaphore(%arg10 : memref<!tpu.dma_semaphore, #tpu.memory_space<semaphore_mem>>) src(%dma_wait3A_80 : memref<1024000xf32, #tpu.memory_space<hbm>>) dst(%dma_wait3A_76 : memref<128xf32, #tpu.memory_space<vmem>>)
    %dma_wait3A_81 = arith.constant 4 : i32
    %dma_wait3A_82 = arith.constant 0 : i32
    %dma_wait3A_83 = tpu.memref_slice %arg8[%dma_wait3A_81, %dma_wait3A_82] : memref<5x128xf32, #tpu.memory_space<vmem>> -> memref<1x128xf32, #tpu.memory_space<vmem>>
    %dma_wait3A_84 = tpu.memref_squeeze %dma_wait3A_83 : memref<1x128xf32, #tpu.memory_space<vmem>> -> memref<128xf32, #tpu.memory_space<vmem>>
    %dma_wait3A_85 = arith.constant 512 : i32
    %dma_wait3A_86 = tpu.memref_slice %arg6[%dma_wait3A_85] : memref<640xi32, #tpu.memory_space<vmem>> -> memref<128xi32, #tpu.memory_space<vmem>>
    %dma_wait3A_87 = arith.constant 0 : i32
    %dma_wait3A_88 = tpu.memref_slice %arg2[%dma_wait3A_87] : memref<1024000xf32, #tpu.memory_space<hbm>> -> memref<1024000xf32, #tpu.memory_space<hbm>>
    tpu.wait_indirect_dma semaphore(%arg10 : memref<!tpu.dma_semaphore, #tpu.memory_space<semaphore_mem>>) src(%dma_wait3A_88 : memref<1024000xf32, #tpu.memory_space<hbm>>) dst(%dma_wait3A_84 : memref<128xf32, #tpu.memory_space<vmem>>)
    %broadcast_in_dim3A = arith.constant 0.000000e+00 : f32
    %broadcast_in_dim3A_89 = vector.broadcast %broadcast_in_dim3A : f32 to vector<16xf32>
    %get3A = arith.constant 0 : i32
    %get3A_90 = arith.index_cast %get3A : i32 to index
    %get3A_91 = arith.constant 0 : index
    %get3A_92 = tpu.vector_load %arg8[%get3A_90, %get3A_91] {strides = array<i32>} : memref<5x128xf32, #tpu.memory_space<vmem>>, vector<16xf32>,
    %add3A_93 = arith.addf %broadcast_in_dim3A_89, %get3A_92 : vector<16xf32>
    %get3A_94 = arith.constant 0 : i32
    %get3A_95 = arith.index_cast %get3A_94 : i32 to index
    %get3A_96 = arith.constant 16 : index
    %get3A_97 = tpu.vector_load %arg8[%get3A_95, %get3A_96] {strides = array<i32>} : memref<5x128xf32, #tpu.memory_space<vmem>>, vector<16xf32>,
    %add3A_98 = arith.addf %add3A_93, %get3A_97 : vector<16xf32>
    %get3A_99 = arith.constant 0 : i32
    %get3A_100 = arith.index_cast %get3A_99 : i32 to index
    %get3A_101 = arith.constant 32 : index
    %get3A_102 = tpu.vector_load %arg8[%get3A_100, %get3A_101] {strides = array<i32>} : memref<5x128xf32, #tpu.memory_space<vmem>>, vector<16xf32>,
    %add3A_103 = arith.addf %add3A_98, %get3A_102 : vector<16xf32>
    %get3A_104 = arith.constant 0 : i32
    %get3A_105 = arith.index_cast %get3A_104 : i32 to index
    %get3A_106 = arith.constant 48 : index
    %get3A_107 = tpu.vector_load %arg8[%get3A_105, %get3A_106] {strides = array<i32>} : memref<5x128xf32, #tpu.memory_space<vmem>>, vector<16xf32>,
    %add3A_108 = arith.addf %add3A_103, %get3A_107 : vector<16xf32>
    %get3A_109 = arith.constant 0 : i32
    %get3A_110 = arith.index_cast %get3A_109 : i32 to index
    %get3A_111 = arith.constant 64 : index
    %get3A_112 = tpu.vector_load %arg8[%get3A_110, %get3A_111] {strides = array<i32>} : memref<5x128xf32, #tpu.memory_space<vmem>>, vector<16xf32>,
    %add3A_113 = arith.addf %add3A_108, %get3A_112 : vector<16xf32>
    %get3A_114 = arith.constant 0 : i32
    %get3A_115 = arith.index_cast %get3A_114 : i32 to index
    %get3A_116 = arith.constant 80 : index
    %get3A_117 = tpu.vector_load %arg8[%get3A_115, %get3A_116] {strides = array<i32>} : memref<5x128xf32, #tpu.memory_space<vmem>>, vector<16xf32>,
    %add3A_118 = arith.addf %add3A_113, %get3A_117 : vector<16xf32>
    %get3A_119 = arith.constant 0 : i32
    %get3A_120 = arith.index_cast %get3A_119 : i32 to index
    %get3A_121 = arith.constant 96 : index
    %get3A_122 = tpu.vector_load %arg8[%get3A_120, %get3A_121] {strides = array<i32>} : memref<5x128xf32, #tpu.memory_space<vmem>>, vector<16xf32>,
    %add3A_123 = arith.addf %add3A_118, %get3A_122 : vector<16xf32>
    %get3A_124 = arith.constant 0 : i32
    %get3A_125 = arith.index_cast %get3A_124 : i32 to index
    %get3A_126 = arith.constant 112 : index
    %get3A_127 = tpu.vector_load %arg8[%get3A_125, %get3A_126] {strides = array<i32>} : memref<5x128xf32, #tpu.memory_space<vmem>>, vector<16xf32>,
    %add3A_128 = arith.addf %add3A_123, %get3A_127 : vector<16xf32>
    %get3A_129 = arith.constant 1 : i32
    %get3A_130 = arith.index_cast %get3A_129 : i32 to index
    %get3A_131 = arith.constant 0 : index
    %get3A_132 = tpu.vector_load %arg8[%get3A_130, %get3A_131] {strides = array<i32>} : memref<5x128xf32, #tpu.memory_space<vmem>>, vector<16xf32>,
    %add3A_133 = arith.addf %add3A_128, %get3A_132 : vector<16xf32>
    %get3A_134 = arith.constant 1 : i32
    %get3A_135 = arith.index_cast %get3A_134 : i32 to index
    %get3A_136 = arith.constant 16 : index
    %get3A_137 = tpu.vector_load %arg8[%get3A_135, %get3A_136] {strides = array<i32>} : memref<5x128xf32, #tpu.memory_space<vmem>>, vector<16xf32>,
    %add3A_138 = arith.addf %add3A_133, %get3A_137 : vector<16xf32>
    %get3A_139 = arith.constant 1 : i32
    %get3A_140 = arith.index_cast %get3A_139 : i32 to index
    %get3A_141 = arith.constant 32 : index
    %get3A_142 = tpu.vector_load %arg8[%get3A_140, %get3A_141] {strides = array<i32>} : memref<5x128xf32, #tpu.memory_space<vmem>>, vector<16xf32>,
    %add3A_143 = arith.addf %add3A_138, %get3A_142 : vector<16xf32>
    %get3A_144 = arith.constant 1 : i32
    %get3A_145 = arith.index_cast %get3A_144 : i32 to index
    %get3A_146 = arith.constant 48 : index
    %get3A_147 = tpu.vector_load %arg8[%get3A_145, %get3A_146] {strides = array<i32>} : memref<5x128xf32, #tpu.memory_space<vmem>>, vector<16xf32>,
    %add3A_148 = arith.addf %add3A_143, %get3A_147 : vector<16xf32>
    %get3A_149 = arith.constant 1 : i32
    %get3A_150 = arith.index_cast %get3A_149 : i32 to index
    %get3A_151 = arith.constant 64 : index
    %get3A_152 = tpu.vector_load %arg8[%get3A_150, %get3A_151] {strides = array<i32>} : memref<5x128xf32, #tpu.memory_space<vmem>>, vector<16xf32>,
    %add3A_153 = arith.addf %add3A_148, %get3A_152 : vector<16xf32>
    %get3A_154 = arith.constant 1 : i32
    %get3A_155 = arith.index_cast %get3A_154 : i32 to index
    %get3A_156 = arith.constant 80 : index
    %get3A_157 = tpu.vector_load %arg8[%get3A_155, %get3A_156] {strides = array<i32>} : memref<5x128xf32, #tpu.memory_space<vmem>>, vector<16xf32>,
    %add3A_158 = arith.addf %add3A_153, %get3A_157 : vector<16xf32>
    %get3A_159 = arith.constant 1 : i32
    %get3A_160 = arith.index_cast %get3A_159 : i32 to index
    %get3A_161 = arith.constant 96 : index
    %get3A_162 = tpu.vector_load %arg8[%get3A_160, %get3A_161] {strides = array<i32>} : memref<5x128xf32, #tpu.memory_space<vmem>>, vector<16xf32>,
    %add3A_163 = arith.addf %add3A_158, %get3A_162 : vector<16xf32>
    %get3A_164 = arith.constant 1 : i32
    %get3A_165 = arith.index_cast %get3A_164 : i32 to index
    %get3A_166 = arith.constant 112 : index
    %get3A_167 = tpu.vector_load %arg8[%get3A_165, %get3A_166] {strides = array<i32>} : memref<5x128xf32, #tpu.memory_space<vmem>>, vector<16xf32>,
    %add3A_168 = arith.addf %add3A_163, %get3A_167 : vector<16xf32>
    %get3A_169 = arith.constant 2 : i32
    %get3A_170 = arith.index_cast %get3A_169 : i32 to index
    %get3A_171 = arith.constant 0 : index
    %get3A_172 = tpu.vector_load %arg8[%get3A_170, %get3A_171] {strides = array<i32>} : memref<5x128xf32, #tpu.memory_space<vmem>>, vector<16xf32>,
    %add3A_173 = arith.addf %add3A_168, %get3A_172 : vector<16xf32>
    %get3A_174 = arith.constant 2 : i32
    %get3A_175 = arith.index_cast %get3A_174 : i32 to index
    %get3A_176 = arith.constant 16 : index
    %get3A_177 = tpu.vector_load %arg8[%get3A_175, %get3A_176] {strides = array<i32>} : memref<5x128xf32, #tpu.memory_space<vmem>>, vector<16xf32>,
    %add3A_178 = arith.addf %add3A_173, %get3A_177 : vector<16xf32>
    %get3A_179 = arith.constant 2 : i32
    %get3A_180 = arith.index_cast %get3A_179 : i32 to index
    %get3A_181 = arith.constant 32 : index
    %get3A_182 = tpu.vector_load %arg8[%get3A_180, %get3A_181] {strides = array<i32>} : memref<5x128xf32, #tpu.memory_space<vmem>>, vector<16xf32>,
    %add3A_183 = arith.addf %add3A_178, %get3A_182 : vector<16xf32>
    %get3A_184 = arith.constant 2 : i32
    %get3A_185 = arith.index_cast %get3A_184 : i32 to index
    %get3A_186 = arith.constant 48 : index
    %get3A_187 = tpu.vector_load %arg8[%get3A_185, %get3A_186] {strides = array<i32>} : memref<5x128xf32, #tpu.memory_space<vmem>>, vector<16xf32>,
    %add3A_188 = arith.addf %add3A_183, %get3A_187 : vector<16xf32>
    %get3A_189 = arith.constant 2 : i32
    %get3A_190 = arith.index_cast %get3A_189 : i32 to index
    %get3A_191 = arith.constant 64 : index
    %get3A_192 = tpu.vector_load %arg8[%get3A_190, %get3A_191] {strides = array<i32>} : memref<5x128xf32, #tpu.memory_space<vmem>>, vector<16xf32>,
    %add3A_193 = arith.addf %add3A_188, %get3A_192 : vector<16xf32>
    %get3A_194 = arith.constant 2 : i32
    %get3A_195 = arith.index_cast %get3A_194 : i32 to index
    %get3A_196 = arith.constant 80 : index
    %get3A_197 = tpu.vector_load %arg8[%get3A_195, %get3A_196] {strides = array<i32>} : memref<5x128xf32, #tpu.memory_space<vmem>>, vector<16xf32>,
    %add3A_198 = arith.addf %add3A_193, %get3A_197 : vector<16xf32>
    %get3A_199 = arith.constant 2 : i32
    %get3A_200 = arith.index_cast %get3A_199 : i32 to index
    %get3A_201 = arith.constant 96 : index
    %get3A_202 = tpu.vector_load %arg8[%get3A_200, %get3A_201] {strides = array<i32>} : memref<5x128xf32, #tpu.memory_space<vmem>>, vector<16xf32>,
    %add3A_203 = arith.addf %add3A_198, %get3A_202 : vector<16xf32>
    %get3A_204 = arith.constant 2 : i32
    %get3A_205 = arith.index_cast %get3A_204 : i32 to index
    %get3A_206 = arith.constant 112 : index
    %get3A_207 = tpu.vector_load %arg8[%get3A_205, %get3A_206] {strides = array<i32>} : memref<5x128xf32, #tpu.memory_space<vmem>>, vector<16xf32>,
    %add3A_208 = arith.addf %add3A_203, %get3A_207 : vector<16xf32>
    %get3A_209 = arith.constant 3 : i32
    %get3A_210 = arith.index_cast %get3A_209 : i32 to index
    %get3A_211 = arith.constant 0 : index
    %get3A_212 = tpu.vector_load %arg8[%get3A_210, %get3A_211] {strides = array<i32>} : memref<5x128xf32, #tpu.memory_space<vmem>>, vector<16xf32>,
    %add3A_213 = arith.addf %add3A_208, %get3A_212 : vector<16xf32>
    %get3A_214 = arith.constant 3 : i32
    %get3A_215 = arith.index_cast %get3A_214 : i32 to index
    %get3A_216 = arith.constant 16 : index
    %get3A_217 = tpu.vector_load %arg8[%get3A_215, %get3A_216] {strides = array<i32>} : memref<5x128xf32, #tpu.memory_space<vmem>>, vector<16xf32>,
    %add3A_218 = arith.addf %add3A_213, %get3A_217 : vector<16xf32>
    %get3A_219 = arith.constant 3 : i32
    %get3A_220 = arith.index_cast %get3A_219 : i32 to index
    %get3A_221 = arith.constant 32 : index
    %get3A_222 = tpu.vector_load %arg8[%get3A_220, %get3A_221] {strides = array<i32>} : memref<5x128xf32, #tpu.memory_space<vmem>>, vector<16xf32>,
    %add3A_223 = arith.addf %add3A_218, %get3A_222 : vector<16xf32>
    %get3A_224 = arith.constant 3 : i32
    %get3A_225 = arith.index_cast %get3A_224 : i32 to index
    %get3A_226 = arith.constant 48 : index
    %get3A_227 = tpu.vector_load %arg8[%get3A_225, %get3A_226] {strides = array<i32>} : memref<5x128xf32, #tpu.memory_space<vmem>>, vector<16xf32>,
    %add3A_228 = arith.addf %add3A_223, %get3A_227 : vector<16xf32>
    %get3A_229 = arith.constant 3 : i32
    %get3A_230 = arith.index_cast %get3A_229 : i32 to index
    %get3A_231 = arith.constant 64 : index
    %get3A_232 = tpu.vector_load %arg8[%get3A_230, %get3A_231] {strides = array<i32>} : memref<5x128xf32, #tpu.memory_space<vmem>>, vector<16xf32>,
    %add3A_233 = arith.addf %add3A_228, %get3A_232 : vector<16xf32>
    %get3A_234 = arith.constant 3 : i32
    %get3A_235 = arith.index_cast %get3A_234 : i32 to index
    %get3A_236 = arith.constant 80 : index
    %get3A_237 = tpu.vector_load %arg8[%get3A_235, %get3A_236] {strides = array<i32>} : memref<5x128xf32, #tpu.memory_space<vmem>>, vector<16xf32>,
    %add3A_238 = arith.addf %add3A_233, %get3A_237 : vector<16xf32>
    %get3A_239 = arith.constant 3 : i32
    %get3A_240 = arith.index_cast %get3A_239 : i32 to index
    %get3A_241 = arith.constant 96 : index
    %get3A_242 = tpu.vector_load %arg8[%get3A_240, %get3A_241] {strides = array<i32>} : memref<5x128xf32, #tpu.memory_space<vmem>>, vector<16xf32>,
    %add3A_243 = arith.addf %add3A_238, %get3A_242 : vector<16xf32>
    %get3A_244 = arith.constant 3 : i32
    %get3A_245 = arith.index_cast %get3A_244 : i32 to index
    %get3A_246 = arith.constant 112 : index
    %get3A_247 = tpu.vector_load %arg8[%get3A_245, %get3A_246] {strides = array<i32>} : memref<5x128xf32, #tpu.memory_space<vmem>>, vector<16xf32>,
    %add3A_248 = arith.addf %add3A_243, %get3A_247 : vector<16xf32>
    %get3A_249 = arith.constant 4 : i32
    %get3A_250 = arith.index_cast %get3A_249 : i32 to index
    %get3A_251 = arith.constant 0 : index
    %get3A_252 = tpu.vector_load %arg8[%get3A_250, %get3A_251] {strides = array<i32>} : memref<5x128xf32, #tpu.memory_space<vmem>>, vector<16xf32>,
    %add3A_253 = arith.addf %add3A_248, %get3A_252 : vector<16xf32>
    %get3A_254 = arith.constant 4 : i32
    %get3A_255 = arith.index_cast %get3A_254 : i32 to index
    %get3A_256 = arith.constant 16 : index
    %get3A_257 = tpu.vector_load %arg8[%get3A_255, %get3A_256] {strides = array<i32>} : memref<5x128xf32, #tpu.memory_space<vmem>>, vector<16xf32>,
    %add3A_258 = arith.addf %add3A_253, %get3A_257 : vector<16xf32>
    %get3A_259 = arith.constant 4 : i32
    %get3A_260 = arith.index_cast %get3A_259 : i32 to index
    %get3A_261 = arith.constant 32 : index
    %get3A_262 = tpu.vector_load %arg8[%get3A_260, %get3A_261] {strides = array<i32>} : memref<5x128xf32, #tpu.memory_space<vmem>>, vector<16xf32>,
    %add3A_263 = arith.addf %add3A_258, %get3A_262 : vector<16xf32>
    %get3A_264 = arith.constant 4 : i32
    %get3A_265 = arith.index_cast %get3A_264 : i32 to index
    %get3A_266 = arith.constant 48 : index
    %get3A_267 = tpu.vector_load %arg8[%get3A_265, %get3A_266] {strides = array<i32>} : memref<5x128xf32, #tpu.memory_space<vmem>>, vector<16xf32>,
    %add3A_268 = arith.addf %add3A_263, %get3A_267 : vector<16xf32>
    %get3A_269 = arith.constant 4 : i32
    %get3A_270 = arith.index_cast %get3A_269 : i32 to index
    %get3A_271 = arith.constant 64 : index
    %get3A_272 = tpu.vector_load %arg8[%get3A_270, %get3A_271] {strides = array<i32>} : memref<5x128xf32, #tpu.memory_space<vmem>>, vector<16xf32>,
    %add3A_273 = arith.addf %add3A_268, %get3A_272 : vector<16xf32>
    %get3A_274 = arith.constant 4 : i32
    %get3A_275 = arith.index_cast %get3A_274 : i32 to index
    %get3A_276 = arith.constant 80 : index
    %get3A_277 = tpu.vector_load %arg8[%get3A_275, %get3A_276] {strides = array<i32>} : memref<5x128xf32, #tpu.memory_space<vmem>>, vector<16xf32>,
    %add3A_278 = arith.addf %add3A_273, %get3A_277 : vector<16xf32>
    %get3A_279 = arith.constant 4 : i32
    %get3A_280 = arith.index_cast %get3A_279 : i32 to index
    %get3A_281 = arith.constant 96 : index
    %get3A_282 = tpu.vector_load %arg8[%get3A_280, %get3A_281] {strides = array<i32>} : memref<5x128xf32, #tpu.memory_space<vmem>>, vector<16xf32>,
    %add3A_283 = arith.addf %add3A_278, %get3A_282 : vector<16xf32>
    %get3A_284 = arith.constant 4 : i32
    %get3A_285 = arith.index_cast %get3A_284 : i32 to index
    %get3A_286 = arith.constant 112 : index
    %get3A_287 = tpu.vector_load %arg8[%get3A_285, %get3A_286] {strides = array<i32>} : memref<5x128xf32, #tpu.memory_space<vmem>>, vector<16xf32>,
    %add3A_288 = arith.addf %add3A_283, %get3A_287 : vector<16xf32>
    %swap3A = arith.constant 0 : index
    %swap3A_289 = tpu.vector_load %arg9[%swap3A] {strides = array<i32>} : memref<16xf32, #tpu.memory_space<vmem>>, vector<16xf32>,
    tpu.vector_store %arg9[%swap3A], %add3A_288 {strides = array<i32>} : memref<16xf32, #tpu.memory_space<vmem>>, vector<16xf32>,
    %mul3A_290 = arith.constant 16 : i32
    %mul3A_291 = arith.muli %add3A, %mul3A_290 : i32
    "tpu.region"() ({
      %run_scoped3A = tpu.sem_alloc : memref<!tpu.dma_semaphore, #tpu.memory_space<semaphore_mem>>
      %dma_start3A_292 = tpu.memref_slice %arg5[%mul3A_291] : memref<512xf32, #tpu.memory_space<hbm>> -> memref<16xf32, #tpu.memory_space<hbm>>
      %dma_start3A_293 = tpu.memref_slice %arg5[%mul3A_291] : memref<512xf32, #tpu.memory_space<hbm>> -> memref<16xf32, #tpu.memory_space<hbm>>
      tpu.enqueue_dma source(%arg9 : memref<16xf32, #tpu.memory_space<vmem>>) target(%dma_start3A_293 : memref<16xf32, #tpu.memory_space<hbm>>) target_semaphore(%run_scoped3A : memref<!tpu.dma_semaphore, #tpu.memory_space<semaphore_mem>>)
      %dma_wait3A_294 = tpu.memref_slice %arg5[%mul3A_291] : memref<512xf32, #tpu.memory_space<hbm>> -> memref<16xf32, #tpu.memory_space<hbm>>
      %dma_wait3A_295 = tpu.memref_slice %arg5[%mul3A_291] : memref<512xf32, #tpu.memory_space<hbm>> -> memref<16xf32, #tpu.memory_space<hbm>>
      tpu.wait_dma2 semaphore(%run_scoped3A : memref<!tpu.dma_semaphore, #tpu.memory_space<semaphore_mem>>) src(%arg9 : memref<16xf32, #tpu.memory_space<vmem>>) dst(%dma_wait3A_295 : memref<16xf32, #tpu.memory_space<hbm>>)
      tpu.yield
    }) : () -> ()
    return
  }
}

module attributes {stable_mosaic.version = 14 : i64} {
  func.func @_fin_body(%arg0: memref<512xf32, #tpu.memory_space<vmem>>, %arg1: memref<1x1xf32, #tpu.memory_space<vmem>>) attributes {dimension_semantics = [], scalar_prefetch = 0 : i64, scratch_operands = 0 : i64, tpu.core_type = #tpu.core_type<tc>} {
    %get3A = arith.constant 0 : index
    %get3A_0 = vector.load %arg0[%get3A] : memref<512xf32, #tpu.memory_space<vmem>>, vector<512xf32>
    %reduce_sum3A = vector.shape_cast %get3A_0 : vector<512xf32> to vector<1x512xf32>
    %reduce_sum3A_1 = arith.constant dense<0.000000e+00> : vector<1xf32>
    %reduce_sum3A_2 = vector.multi_reduction <add>, %reduce_sum3A, %reduce_sum3A_1 [1] : vector<1x512xf32> to vector<1xf32>
    %reduce_sum3A_3 = vector.shape_cast %reduce_sum3A_2 : vector<1xf32> to vector<1x1xf32>
    %reduce_sum3A_4 = vector.extract %reduce_sum3A_3[0, 0] : f32 from vector<1x1xf32>
    %reshape3A = vector.broadcast %reduce_sum3A_4 : f32 to vector<1x1xf32>
    %mul3A = arith.constant 4.88281257E-5 : f32
    %mul3A_5 = vector.broadcast %mul3A : f32 to vector<1x1xf32>
    %mul3A_6 = arith.mulf %reshape3A, %mul3A_5 : vector<1x1xf32>
    %swap3A = arith.constant 0 : index
    %swap3A_7 = arith.constant 0 : index
    %swap3A_8 = vector.load %arg1[%swap3A, %swap3A_7] : memref<1x1xf32, #tpu.memory_space<vmem>>, vector<1x1xf32>
    tpu.vector_store %arg1[%swap3A, %swap3A_7], %mul3A_6 {strides = array<i32>} : memref<1x1xf32, #tpu.memory_space<vmem>>, vector<1x1xf32>,
    return
  }
}

module attributes {stable_mosaic.version = 14 : i64} {
  func.func @_ht_body(%arg0: memref<1000x128xf32, #tpu.memory_space<vmem>>, %arg1: memref<1000x128xf32, #tpu.memory_space<vmem>>, %arg2: memref<8x1000x128xf32, #tpu.memory_space<vmem>>) attributes {dimension_semantics = [], scalar_prefetch = 0 : i64, scratch_operands = 0 : i64, tpu.core_type = #tpu.core_type<tc>} {
    %get3A = arith.constant 0 : index
    %get3A_0 = arith.constant 0 : index
    %get3A_1 = vector.load %arg1[%get3A, %get3A_0] : memref<1000x128xf32, #tpu.memory_space<vmem>>, vector<1000x128xf32>
    %get3A_2 = arith.constant 0 : index
    %get3A_3 = arith.constant 0 : index
    %get3A_4 = vector.load %arg0[%get3A_2, %get3A_3] : memref<1000x128xf32, #tpu.memory_space<vmem>>, vector<1000x128xf32>
    %dot_general3A = arith.constant dense<0.000000e+00> : vector<1000x1000xf32>
    %dot_general3A_5 = tpu.matmul %get3A_1, %get3A_4, %dot_general3A {dimension_numbers = #tpu.dot_dimension_numbers<[1], [1], [0], [0], [0, 0, 1, 0], [], []>, transpose_lhs_hint = false} : vector<1000x128xf32>, vector<1000x128xf32>, vector<1000x1000xf32> -> vector<1000x1000xf32>
    %reduce_max3A = arith.constant dense<0xFF800000> : vector<1000xf32>
    %reduce_max3A_6 = vector.multi_reduction <maximumf>, %dot_general3A_5, %reduce_max3A [0] : vector<1000x1000xf32> to vector<1000xf32>
    %broadcast_in_dim3A = vector.shape_cast %reduce_max3A_6 : vector<1000xf32> to vector<1x1000xf32>
    %sub3A = vector.broadcast %broadcast_in_dim3A : vector<1x1000xf32> to vector<1000x1000xf32>
    %sub3A_7 = arith.subf %dot_general3A_5, %sub3A : vector<1000x1000xf32>
    %exp3A = math.exp %sub3A_7 : vector<1000x1000xf32>
    %reduce_sum3A = arith.constant dense<0.000000e+00> : vector<1000xf32>
    %reduce_sum3A_8 = vector.multi_reduction <add>, %exp3A, %reduce_sum3A [0] : vector<1000x1000xf32> to vector<1000xf32>
    %broadcast_in_dim3A_9 = vector.shape_cast %reduce_sum3A_8 : vector<1000xf32> to vector<1x1000xf32>
    %log3A = math.log %broadcast_in_dim3A_9 : vector<1x1000xf32>
    %add3A = arith.addf %broadcast_in_dim3A, %log3A : vector<1x1000xf32>
    %sub3A_10 = vector.broadcast %add3A : vector<1x1000xf32> to vector<1000x1000xf32>
    %sub3A_11 = arith.subf %sub3A_10, %dot_general3A_5 : vector<1000x1000xf32>
    %slice3A = vector.extract_strided_slice %sub3A_11 {offsets = [0, 0], sizes = [1000, 128], strides = [1, 1]} : vector<1000x1000xf32> to vector<1000x128xf32>
    %swap3A = arith.constant 0 : index
    %swap3A_12 = arith.constant 0 : index
    %swap3A_13 = arith.constant 0 : index
    %swap3A_14 = vector.load %arg2[%swap3A, %swap3A_12, %swap3A_13] : memref<8x1000x128xf32, #tpu.memory_space<vmem>>, vector<1x1000x128xf32>
    %swap3A_15 = vector.shape_cast %swap3A_14 : vector<1x1000x128xf32> to vector<1000x128xf32>
    %swap3A_16 = vector.shape_cast %slice3A : vector<1000x128xf32> to vector<1x1000x128xf32>
    tpu.vector_store %arg2[%swap3A, %swap3A_12, %swap3A_13], %swap3A_16 {strides = array<i32>} : memref<8x1000x128xf32, #tpu.memory_space<vmem>>, vector<1x1000x128xf32>,
    %slice3A_17 = vector.extract_strided_slice %sub3A_11 {offsets = [0, 128], sizes = [1000, 128], strides = [1, 1]} : vector<1000x1000xf32> to vector<1000x128xf32>
    %swap3A_18 = arith.constant 1 : index
    %swap3A_19 = arith.constant 0 : index
    %swap3A_20 = arith.constant 0 : index
    %swap3A_21 = vector.load %arg2[%swap3A_18, %swap3A_19, %swap3A_20] : memref<8x1000x128xf32, #tpu.memory_space<vmem>>, vector<1x1000x128xf32>
    %swap3A_22 = vector.shape_cast %swap3A_21 : vector<1x1000x128xf32> to vector<1000x128xf32>
    %swap3A_23 = vector.shape_cast %slice3A_17 : vector<1000x128xf32> to vector<1x1000x128xf32>
    tpu.vector_store %arg2[%swap3A_18, %swap3A_19, %swap3A_20], %swap3A_23 {strides = array<i32>} : memref<8x1000x128xf32, #tpu.memory_space<vmem>>, vector<1x1000x128xf32>,
    %slice3A_24 = vector.extract_strided_slice %sub3A_11 {offsets = [0, 256], sizes = [1000, 128], strides = [1, 1]} : vector<1000x1000xf32> to vector<1000x128xf32>
    %swap3A_25 = arith.constant 2 : index
    %swap3A_26 = arith.constant 0 : index
    %swap3A_27 = arith.constant 0 : index
    %swap3A_28 = vector.load %arg2[%swap3A_25, %swap3A_26, %swap3A_27] : memref<8x1000x128xf32, #tpu.memory_space<vmem>>, vector<1x1000x128xf32>
    %swap3A_29 = vector.shape_cast %swap3A_28 : vector<1x1000x128xf32> to vector<1000x128xf32>
    %swap3A_30 = vector.shape_cast %slice3A_24 : vector<1000x128xf32> to vector<1x1000x128xf32>
    tpu.vector_store %arg2[%swap3A_25, %swap3A_26, %swap3A_27], %swap3A_30 {strides = array<i32>} : memref<8x1000x128xf32, #tpu.memory_space<vmem>>, vector<1x1000x128xf32>,
    %slice3A_31 = vector.extract_strided_slice %sub3A_11 {offsets = [0, 384], sizes = [1000, 128], strides = [1, 1]} : vector<1000x1000xf32> to vector<1000x128xf32>
    %swap3A_32 = arith.constant 3 : index
    %swap3A_33 = arith.constant 0 : index
    %swap3A_34 = arith.constant 0 : index
    %swap3A_35 = vector.load %arg2[%swap3A_32, %swap3A_33, %swap3A_34] : memref<8x1000x128xf32, #tpu.memory_space<vmem>>, vector<1x1000x128xf32>
    %swap3A_36 = vector.shape_cast %swap3A_35 : vector<1x1000x128xf32> to vector<1000x128xf32>
    %swap3A_37 = vector.shape_cast %slice3A_31 : vector<1000x128xf32> to vector<1x1000x128xf32>
    tpu.vector_store %arg2[%swap3A_32, %swap3A_33, %swap3A_34], %swap3A_37 {strides = array<i32>} : memref<8x1000x128xf32, #tpu.memory_space<vmem>>, vector<1x1000x128xf32>,
    %slice3A_38 = vector.extract_strided_slice %sub3A_11 {offsets = [0, 512], sizes = [1000, 128], strides = [1, 1]} : vector<1000x1000xf32> to vector<1000x128xf32>
    %swap3A_39 = arith.constant 4 : index
    %swap3A_40 = arith.constant 0 : index
    %swap3A_41 = arith.constant 0 : index
    %swap3A_42 = vector.load %arg2[%swap3A_39, %swap3A_40, %swap3A_41] : memref<8x1000x128xf32, #tpu.memory_space<vmem>>, vector<1x1000x128xf32>
    %swap3A_43 = vector.shape_cast %swap3A_42 : vector<1x1000x128xf32> to vector<1000x128xf32>
    %swap3A_44 = vector.shape_cast %slice3A_38 : vector<1000x128xf32> to vector<1x1000x128xf32>
    tpu.vector_store %arg2[%swap3A_39, %swap3A_40, %swap3A_41], %swap3A_44 {strides = array<i32>} : memref<8x1000x128xf32, #tpu.memory_space<vmem>>, vector<1x1000x128xf32>,
    %slice3A_45 = vector.extract_strided_slice %sub3A_11 {offsets = [0, 640], sizes = [1000, 128], strides = [1, 1]} : vector<1000x1000xf32> to vector<1000x128xf32>
    %swap3A_46 = arith.constant 5 : index
    %swap3A_47 = arith.constant 0 : index
    %swap3A_48 = arith.constant 0 : index
    %swap3A_49 = vector.load %arg2[%swap3A_46, %swap3A_47, %swap3A_48] : memref<8x1000x128xf32, #tpu.memory_space<vmem>>, vector<1x1000x128xf32>
    %swap3A_50 = vector.shape_cast %swap3A_49 : vector<1x1000x128xf32> to vector<1000x128xf32>
    %swap3A_51 = vector.shape_cast %slice3A_45 : vector<1000x128xf32> to vector<1x1000x128xf32>
    tpu.vector_store %arg2[%swap3A_46, %swap3A_47, %swap3A_48], %swap3A_51 {strides = array<i32>} : memref<8x1000x128xf32, #tpu.memory_space<vmem>>, vector<1x1000x128xf32>,
    %slice3A_52 = vector.extract_strided_slice %sub3A_11 {offsets = [0, 768], sizes = [1000, 128], strides = [1, 1]} : vector<1000x1000xf32> to vector<1000x128xf32>
    %swap3A_53 = arith.constant 6 : index
    %swap3A_54 = arith.constant 0 : index
    %swap3A_55 = arith.constant 0 : index
    %swap3A_56 = vector.load %arg2[%swap3A_53, %swap3A_54, %swap3A_55] : memref<8x1000x128xf32, #tpu.memory_space<vmem>>, vector<1x1000x128xf32>
    %swap3A_57 = vector.shape_cast %swap3A_56 : vector<1x1000x128xf32> to vector<1000x128xf32>
    %swap3A_58 = vector.shape_cast %slice3A_52 : vector<1000x128xf32> to vector<1x1000x128xf32>
    tpu.vector_store %arg2[%swap3A_53, %swap3A_54, %swap3A_55], %swap3A_58 {strides = array<i32>} : memref<8x1000x128xf32, #tpu.memory_space<vmem>>, vector<1x1000x128xf32>,
    %slice3A_59 = vector.extract_strided_slice %sub3A_11 {offsets = [0, 896], sizes = [1000, 104], strides = [1, 1]} : vector<1000x1000xf32> to vector<1000x104xf32>
    %swap3A_60 = arith.constant 7 : index
    %swap3A_61 = arith.constant 0 : index
    %swap3A_62 = arith.constant 0 : index
    %swap3A_63 = vector.load %arg2[%swap3A_60, %swap3A_61, %swap3A_62] : memref<8x1000x128xf32, #tpu.memory_space<vmem>>, vector<1x1000x104xf32>
    %swap3A_64 = vector.shape_cast %swap3A_63 : vector<1x1000x104xf32> to vector<1000x104xf32>
    %swap3A_65 = vector.shape_cast %slice3A_59 : vector<1000x104xf32> to vector<1x1000x104xf32>
    tpu.vector_store %arg2[%swap3A_60, %swap3A_61, %swap3A_62], %swap3A_65 {strides = array<i32>} : memref<8x1000x128xf32, #tpu.memory_space<vmem>>, vector<1x1000x104xf32>,
    return
  }
}

</mosaic_0001>

<sc_bundles>
// kernel: kernel.5.cloned.1.call-start
scs
__scs_entry_jumppad:
0x0: {  	(pc) =	sbr.rel $0x88, $3  }
0x1: {  	(tag) =	ssettag $0x0;
	lr =	simm.s32 $0x1  }
0x2: {  	[smem:$0x3F9D] =	sst lr;
	_ =	strace $0xD0000000  }
0x3: {  	_ = 	snop  }
0x4: {  	_ = 	snop  }
0x5: {  	_ = 	snop  }
0x6: {  	_ = 	snop  }
0x7: {  	_ = 	snop  }
__scs_overlays_trampoline_lowered:
0x8: {  	[smem:$0x3FAC] =	sst s0  }
0x9: {  	[smem:$0x3FAD] =	sst s1  }
0xa: {  	[smem:$0x3FAE] =	sst s2  }
0xb: {  	[smem:$0x3FAF] =	sst s3  }
0xc: {  	[smem:$0x3FB0] =	sst s4  }
0xd: {  	[smem:$0x3FB1] =	sst s5  }
0xe: {  	[smem:$0x3FB2] =	sst s6  }
0xf: {  	[smem:$0x3FB3] =	sst s7  }
0x10: {  	[smem:$0x3FB4] =	sst s8  }
0x11: {  	[smem:$0x3FB5] =	sst s9;
	s0 =	simm.s32 @!p0 $0x0  }
0x12: {  	s1 =	sld [smem:$0x3F9B];
	s0 =	simm.s32 @p0 $0x1  }
0x13: {  	[smem:$0x3FB6] =	sst s0;
	s0 =	simm.s32 @!p1 $0x0  }
0x14: {  	s2 =	sld [smem:$0x3F9A];
	s0 =	simm.s32 @p1 $0x1  }
0x15: {  	[smem:$0x3FB7] =	sst s0;
	s0 =	simm.s32 @!p2 $0x0  }
0x16: {  	s3 =	sld [smem:$0x3FDB];
	s0 =	simm.s32 @p2 $0x1  }
0x17: {  	s4 =	simm.s32 $0x1BF5;
	[smem:$0x3FB9] =	sst s0  }
0x18: {  	s0 =	sld [smem:$0x3F9C];
	_ =	swait.ge [sflag:s4], $0x0  }
0x19: {  	s7 =	sld [smem:$0x3F9D]  }
0x1a: {  	s8 =	sadd.s32 $0xFFFFE003, lr  }
0x1b: {  	s9 =	sadd.s32 $0xFFFFFEF7, lr;
	s5 =	simm.s32 $0xFFFFFFFF;
	p2 =	slt.u32 s8, $0xFFFFF086  }
0x1c: {  	p1 =	slt.u32 s9, $0xF7A;
	s5 =	simm.s32 @!p2 $0x0  }
0x1d: {  	s5 =	simm.s32 @p1 $0x1;
	p0 =	seq.s32 s7, s2  }
0x1e: {  	s7 =	smul.u32 @!p0 $0xF7A, s2;
	p2 =	seq.s32 @!p0 s5, $0x0  }
0x1f: {  	s9 =	smul.u32 $0xF7A, s1;
	s8 =	simm.s32 @!p0 $0x1BF5;
	p2 =	por !p2, p0  }
0x20: {  	[sflag:s8] =	ssyncset.s32 @!p0 $0xFFFFF086;
	s6 =	sadd.s32 @!p0 s3, s7;
	s7 =	simm.s32 @!p0 $0x108  }
0x21: {  	s3 =	sadd.s32 s3, s9;
	s6 =	sadd.s32 @!p0 $0x88, s6;
	s7 =	simm.s32 @p2 $0x1082  }
0x22: {  	[simem:s7], [sflag:s8] =	dma.local @!p0 [hbm:s6], $0xF7A  }
0x23: {  	s9 =	sor.u32 $0xD0000000, s2;
	s6 =	simm.s32 $0x108;
	_ =	swait.ge @!p0 [sflag:s8], $0x0  }
0x24: {  	s3 =	sadd.s32 $0x88, s3;
	s6 =	simm.s32 @!p1 $0x1082;
	[sflag:s4] =	ssyncset.s32 $0xFFFFF086  }
0x25: {  	[simem:s6], [sflag:s4] =	dma.local [hbm:s3], $0xF7A  }
0x26: {  	[smem:$0x3F9D] =	sst s1;
	(tag) =	ssettag s2;
	_ =	strace s9  }
0x27: {  	s1 =	sld [smem:$0x3FAD]  }
0x28: {  	s2 =	sld [smem:$0x3FAE]  }
0x29: {  	s4 =	sld [smem:$0x3FB0]  }
0x2a: {  	p0 =	seq.s32 s5, $0x0;
	s5 =	sld [smem:$0x3FB1]  }
0x2b: {  	s6 =	sld [smem:$0x3FB2]  }
0x2c: {  	s7 =	sld [smem:$0x3FB3]  }
0x2d: {  	s3 =	simm.s32 $0x108;
	s8 =	sld [smem:$0x3FB4]  }
0x2e: {  	s3 =	simm.s32 @!p0 $0x1082;
	s9 =	sld [smem:$0x3FB5]  }
0x2f: {  	lr =	sadd.s32 s0, s3;
	s0 =	sld [smem:$0x3FAC]  }
0x30: {  	s3 =	sld [smem:$0x3FAF]  }
0x31: {  	[smem:$0x3FB8] =	sst s10  }
0x32: {  	s10 =	sld [smem:$0x3FB6];
	_ =	sdelay $0x3  }
0x33: {  	p0 =	seq.s32 s10, $0x1;
	s10 =	sld [smem:$0x3FB8];
	_ =	sdelay $0x3  }
0x34: {  	[smem:$0x3FB8] =	sst s10  }
0x35: {  	s10 =	sld [smem:$0x3FB7];
	_ =	sdelay $0x3  }
0x36: {  	p1 =	seq.s32 s10, $0x1;
	s10 =	sld [smem:$0x3FB8];
	_ =	sdelay $0x3  }
0x37: {  	[smem:$0x3FB8] =	sst s10  }
0x38: {  	s10 =	sld [smem:$0x3FB9]  }
0x39: {  	_ = 	snop;
	(pc) =	sbr.ind lr, $3  }
0x3a: {  	_ = 	snop  }
0x3b: {  	_ = 	snop  }
0x3c: {  	p2 =	seq.s32 s10, $0x1;
	s10 =	sld [smem:$0x3FB8]  }
0x3d: {  	_ =	shalt  }
0x3e: {  	_ =	shalt  }
0x3f: {  	_ =	shalt  }
0x40: {  	_ =	shalt  }
0x41: {  	_ =	shalt  }
0x42: {  	_ =	shalt  }
0x43: {  	_ =	shalt  }
0x44: {  	_ =	shalt  }
0x45: {  	_ =	shalt  }
0x46: {  	_ =	shalt  }
0x47: {  	_ =	shalt  }
0x48: {  	_ =	shalt  }
0x49: {  	_ =	shalt  }
0x4a: {  	_ =	shalt  }
0x4b: {  	_ =	shalt  }
0x4c: {  	_ =	shalt  }
0x4d: {  	_ =	shalt  }
0x4e: {  	_ =	shalt  }
0x4f: {  	_ =	shalt  }
0x50: {  	_ =	shalt  }
0x51: {  	_ =	shalt  }
0x52: {  	_ =	shalt  }
0x53: {  	_ =	shalt  }
0x54: {  	_ =	shalt  }
0x55: {  	_ =	shalt  }
0x56: {  	_ =	shalt  }
0x57: {  	_ =	shalt  }
0x58: {  	_ =	shalt  }
0x59: {  	_ =	shalt  }
0x5a: {  	_ =	shalt  }
0x5b: {  	_ =	shalt  }
0x5c: {  	_ =	shalt  }
0x5d: {  	_ =	shalt  }
0x5e: {  	_ =	shalt  }
0x5f: {  	_ =	shalt  }
0x60: {  	_ =	shalt  }
0x61: {  	_ =	shalt  }
0x62: {  	_ =	shalt  }
0x63: {  	_ =	shalt  }
0x64: {  	_ =	shalt  }
0x65: {  	_ =	shalt  }
0x66: {  	_ =	shalt  }
0x67: {  	_ =	shalt  }
0x68: {  	_ =	shalt  }
0x69: {  	_ =	shalt  }
0x6a: {  	_ =	shalt  }
0x6b: {  	_ =	shalt  }
0x6c: {  	_ =	shalt  }
0x6d: {  	_ =	shalt  }
0x6e: {  	_ =	shalt  }
0x6f: {  	_ =	shalt  }
0x70: {  	_ =	shalt  }
0x71: {  	_ =	shalt  }
0x72: {  	_ =	shalt  }
0x73: {  	_ =	shalt  }
0x74: {  	_ =	shalt  }
0x75: {  	_ =	shalt  }
0x76: {  	_ =	shalt  }
0x77: {  	_ =	shalt  }
0x78: {  	_ =	shalt  }
0x79: {  	_ =	shalt  }
0x7a: {  	_ =	shalt  }
0x7b: {  	_ =	shalt  }
0x7c: {  	_ =	shalt  }
0x7d: {  	_ =	shalt  }
0x7e: {  	_ =	shalt  }
0x7f: {  	_ =	shalt  }
0x80: {  	_ =	shalt  }
0x81: {  	_ =	shalt  }
0x82: {  	_ =	shalt  }
0x83: {  	_ =	shalt  }
0x84: {  	_ =	shalt  }
0x85: {  	_ =	shalt  }
0x86: {  	_ =	shalt  }
0x87: {  	_ =	shalt  }
.Lfunc_end0:
.L_simem_size_0:
called_computation_lowered:
.L_overlay_start_0:
0x88: {  	s2 =	sld [smem:$0x3FD9]  }
0x89: {  	s3 =	sld [smem:$0x3FFE];
	_ =	sdelay $0x1  }
0x8a: {  	s1 =	srdreg.scid  }
0x8b: {  	s0 =	sand.u32 $0x1, s1  }
0x8c: {  	s17 =	sshll.u32 s0, $0xA;
	s2 =	sadd.s32 s3, s2  }
0x8d: {  	s2 =	sadd.s32 s2, s17  }
0x8e: {  	[smem:$0x3FC4] =	sst s2  }
0x8f: {  	_ = 	snop  }
0x90: {  	s2 =	sld [smem:$0x3FC9];
	(tm) =	ssettm $0x1  }
0x91: {  	s18 =	sld [smem:$0x3FFB];
	_ =	sdelay $0x3  }
0x92: {  	_ =	strace s18  }
0x93: {  	s3 =	sld [smem:$0x3FFC];
	_ =	sdelay $0x3  }
0x94: {  	_ =	strace s3  }
0x95: {  	s3 =	sld [smem:$0x3FFD];
	_ =	sdelay $0x3  }
0x96: {  	_ =	strace s3  }
0x97: {  	_ =	strace $0x8FFFFFFF  }
0x98: {  	s19 =	sld [smem:$0x3FDB];
	_ =	sdelay $0x1  }
0x99: {  	s4 =	simm.s32 $_scs_section_size  }
0x9a: {  	s5 =	simm.s32 $_size__tile_overlayer_lowered;
	s6 =	simm.s32 $_tile_overlayer_lowered  }
0x9b: {  	s22 =	simm.s32 $0x1BFF;
	s21 =	sshll.u32 s6, $0x1;
	s3 =	sadd.s32 s4, s19  }
0x9c: {  	s7 =	simm.s32 $0x0;
	s20 =	sshll.u32 s5, $0x1;
	s5 =	sadd.s32 s21, s3  }
0x9d: {  	[timem:s7], [sflag:s22] =	dma.local [hbm:s5], s20  }
0x9e: {  	_ =	swait.ge [sflag:s22], s20  }
0x9f: {  	s4 =	ssub.s32 $0x0, s20;
	[sflag:s22] =	ssyncset.done $0x0  }
0xa0: {  	[sflag:s22] =	ssyncadd.s32 s4;
	_ =	sdelay $0x1  }
0xa1: {  	s23 =	simm.s32 $0x1B8B  }
0xa2: {  	_ =	swait.ge [sflag:s23], $0x1  }
0xa3: {  	[sflag:s23] =	ssyncset.done $0x0  }
0xa4: {  	s25 =	simm.s32 $0x1B8E;
	s24 =	sld [smem:$0x3FFE];
	[sflag:s23] =	ssyncadd.s32 $0xFFFFFFFF  }
0xa5: {  	s26 =	simm.s32 $execute0_lowered;
	[smem:$0x3FD2] =	sst s25  }
0xa6: {  	s5 =	sshll.u32 s26, $0x1;
	_ =	strace $0x80000046;
	[dreg:$0x1] =	wrdreg $0xFFFFFFFF  }
0xa7: {  	s28 =	simm.s32 $_size_execute0_lowered;
	s3 =	sadd.s32 s3, s5;
	[dreg:$0x0] =	wrdreg $0x0  }
0xa8: {  	s5 =	sshll.u32 s28, $0x1;
	[dreg:$0x2] =	wrdreg s3  }
0xa9: {  	[dreg:$0x3] =	wrdreg s5  }
0xaa: {  	[dreg:$0x4] =	wrdreg $0xC0  }
0xab: {  	_ =	task [dreg:s7], $0x5FFFF  }
0xac: {  	[dreg:$0x1] =	wrdreg $0xFFFFFFFF  }
0xad: {  	[dreg:$0x0] =	wrdreg $0x60  }
0xae: {  	[dreg:$0x2] =	wrdreg s24  }
0xaf: {  	[dreg:$0x3] =	wrdreg s2  }
0xb0: {  	[dreg:$0x4] =	wrdreg $0x9  }
0xb1: {  	_ =	task.clear_ibuf [dreg:s7], $0x5FFFF;
	_ =	strace $0x90000046  }
0xb2: {  	s29 =	simm.s32 $0x9;
	_ =	strace $0x80000048  }
0xb3: {  	_ =	swait.ge [sflag:s29], $0x1  }
0xb4: {  	[sflag:s29] =	ssyncadd.s32 $0xFFFFFFFF  }
0xb5: {  	_ =	strace $0x90000048  }
0xb6: {  	_ =	sfence  }
0xb7: {  	s30 =	sld [smem:$0x0];
	_ =	sdelay $0x2  }
0xb8: {  	s31 =	sshll.u32 s1, $0xD;
	s1 =	sshrl.u32 s1, $0x2  }
0xb9: {  	s3 =	sand.u32 $0x4000, s31;
	s1 =	sadd.s32 s1, s30  }
0xba: {  	s0 =	sor.u32 s3, s0;
	s1 =	sshll.u32 s1, $0x11  }
0xbb: {  	s0 =	sor.u32 s1, s0  }
0xbc: {  	s0 =	sadd.s32 $0x8F2B, s0  }
0xbd: {  	[sflag:s0] =	ssyncadd.remote.s32 $0x1  }
0xbe: {  	_ =	sfence.sel $0xFFFF  }
0xbf: {  	[dreg:$0x0] =	wrdreg $0xFFFFFFFF;
	(pc) =	sbr.abs _section_cstart, $3  }
0xc0: {  	[dreg:$0x1] =	wrdreg $0xFFFFFFFF  }
0xc1: {  	_ =	task.clear_ibuf [dreg:s7], $0x2FFFF;
	_ =	strace $0x9FFFFFFF  }
0xc2: {  	(tm) =	ssettm $0x7FFFFFFF  }
0xc3: {  	_ =	shalt  }
tec
execute0_lowered:
.L_overlay_start_1:
0x0: {  	(tag) =	ssettag $0x1  }
0x1: {  	s4 =	rddreg [dreg:$0x0];
	s1 =	srdreg.scid  }
0x2: {  	s0 =	stileid.u32;
	s5 =	rddreg [dreg:$0x1];
	s2 =	simm.s32 $0x0  }
0x3: {  	s11 =	simm.s32 $0x2A0;
	s12 =	simm.s32 $0x320;
	s13 =	simm.s32 $0x100  }
0x4: {  	s14 =	simm.s32 $0x3A0;
	s15 =	simm.s32 $0x180;
	s16 =	simm.s32 $0x420  }
0x5: {  	s17 =	simm.s32 $0x200;
	s18 =	simm.s32 $0x4A0;
	s19 =	simm.s32 $0x1  }
0x6: {  	s20 =	simm.s32 $0x520;
	s6 =	sand.u32 $0x1, s1;
	s1 =	rddreg [dreg:$0x2]  }
0x7: {  	s21 =	simm.s32 $0x0;
	s3 =	sshll.u32 s0, $0x1;
	[smem:$0x7FF] =	sst s2  }
0x8: {  	s7 =	sor.u32 s6, s3;
	_ =	strace $0x80000047;
	s3 =	sadd.s32 $0x1600, s4  }
0x9: {  	s6 =	ssub.s32 $0x2, s6;
	s8 =	smul.u32 $0x50, s7;
	s9 =	sshll.u32 s7, $0x1  }
0xa: {  	s10 =	sshrl.u32 s6, $0x1;
	s31 =	sshll.u32 s7, $0x2;
	s9 =	sadd.s32 s9, s4  }
0xb: {  	s10 =	ssub.s32 s6, s10;
	s5 =	sadd.s32 s5, s31;
	s8 =	sadd.s32 s8, s4  }
0xc: {  	s6 =	sadd.s32 $0x20A00, s9;
	s7 =	smax.u32 s10, $0x1;
	s9 =	simm.s32 $0x280  }
0xd: {  	v0 =	vlaneseq.u32;
	v1 =	vimm.s32 $0x0;
	s10 =	simm.s32 $0x80;
	s4 =	sadd.s32 $0xC00, s8;
	s8 =	simm.s32 $0x2  }
.LBB2_1:
0xe: {  	v2 =	vor.u32 s2, v0  }
0xf: {  	v3 =	vmulhi.u32 $0xCCCCCCCD, v2;
	_ =	sdelay $0x1  }
0x10: {  	v3 =	vshrl.u32 v3, $0x4  }
0x11: {  	[tilespmem:s2], [sflag:$0x2] =	stream.linear.gather [hbm4b:s4+s2], $0x280, $0x38;
	v4 =	vmul.u32 $0xFFFFFFEC, v3;
	[tilespmem:$0x530] =	vst v63  }
0x12: {  	v5 =	vmov s2;
	v2 =	vsub.s32 $0x0, v2;
	_ =	swait.ge [sflag:s8], $0x280  }
0x13: {  	vm0 =	veq.s32 v5, v0;
	[sflag:s8] =	ssyncset.done $0x0;
	vm1 =	vne.s32 v4, v2  }
0x14: {  	[sflag:s8] =	ssyncadd.s32 $0xFFFFFD80;
	vm0 =	vmand vm0, vm1  }
0x15: {  	[tilespmem:s9], [sflag:$0x2] =	stream.linear.gather [hbm4b:s5+s2], $0x20, $0x38;
	v2 =	vsel vm0, $0xFFFFFFFF, v1;
	[tilespmem:$0x530] =	vst v63  }
0x16: {  	_ =	swait.ge [sflag:s8], $0x20;
	v2 =	vadd.s32 v2, v3  }
0x17: {  	s22 =	simm.s32 $0x10;
	[sflag:s8] =	ssyncset.done $0x0  }
0x18: {  	[sflag:s8] =	ssyncadd.s32 $0xFFFFFFE0;
	v3 =	vor.u32 s22, v0  }
0x19: {  	v5 =	vld [tilespmem:s2+$0x0];
	v4 =	vmulhi.u32 $0xCCCCCCCD, v3;
	_ =	sdelay $0x1  }
0x1a: {  	v4 =	vshrl.u32 v4, $0x4;
	v2 =	vld.idx.msk [tilespmem:v2+s9+$0x0], $0xffff  }
0x1b: {  	v6 =	vmul.u32 $0xFFFFFFEC, v4  }
0x1c: {  	v7 =	vmov s22;
	v3 =	vsub.s32 $0x0, v3  }
0x1d: {  	vm14 =	veq.s32 v7, v0;
	vm15 =	vne.s32 v6, v3;
	v3 =	vshrl.u32 v5, $0x7  }
0x1e: {  	vm0 =	vmand vm14, vm15;
	v6 =	vmul.u32 $0x1F400, v3  }
0x1f: {  	v3 =	vand.u32 $0x7F, v5;
	v7 =	vsel vm0, $0xFFFFFFFF, v1;
	v5 =	vshll.u32 v2, $0x7  }
0x20: {  	v5 =	vor.u32 v5, v3;
	v3 =	vadd.s32 v7, v4  }
0x21: {  	s22 =	simm.s32 $0x20  }
0x22: {  	v2 =	vor.u32 s22, v0  }
0x23: {  	s24 =	simm.s32 $0x30;
	s23 =	simm.s32 $0x0;
	v4 =	vmulhi.u32 $0xCCCCCCCD, v2;
	v5 =	vadd.s32 v6, v5  }
.LBB2_2:
0x24: {  	p0 =	sne.s32 s24, $0x270;
	[tilespmem:s23+$0x0] =	vst v5  }
0x25: {  	s23 =	sadd.s32 $0x10, s23;
	v4 =	vshrl.u32 v4, $0x4;
	v5 =	vld.idx.msk [tilespmem:v3+s9+$0x0], $0xffff  }
0x26: {  	v3 =	vmul.u32 $0xFFFFFFEC, v4;
	v6 =	vld [tilespmem:s23+$0x0]  }
0x27: {  	v7 =	vmov s22;
	v2 =	vsub.s32 $0x0, v2;
	s22 =	smov.u32 s24  }
0x28: {  	vm0 =	veq.s32 v7, v0;
	vm1 =	vne.s32 v3, v2  }
0x29: {  	vm0 =	vmand vm0, vm1  }
.Ltmp0:
0x2a: {  	v2 =	vsel vm0, $0xFFFFFFFF, v1;
	(pc) =	sbr.rel @p0 .LBB2_2-.Ltmp0, $4  }
0x2b: {  	v3 =	vadd.s32 v2, v4;
	v2 =	vshrl.u32 v6, $0x7  }
0x2c: {  	v5 =	vshll.u32 v5, $0x7;
	v4 =	vand.u32 $0x7F, v6;
	v7 =	vmul.u32 $0x1F400, v2  }
0x2d: {  	v2 =	vor.u32 s24, v0;
	v5 =	vor.u32 v5, v4  }
0x2e: {  	s24 =	sadd.s32 $0x10, s24;
	v4 =	vmulhi.u32 $0xCCCCCCCD, v2;
	v5 =	vadd.s32 v7, v5  }
0x2f: {  	_ =	sdelay $0x1  }
0x30: {  	[tilespmem:s23+$0x0] =	vst v5;
	s30 =	sadd.s32 $0x10, s23  }
0x31: {  	v4 =	vshrl.u32 v4, $0x4;
	v6 =	vld [tilespmem:s30+$0x0]  }
0x32: {  	v3 =	vld.idx.msk [tilespmem:v3+s9+$0x0], $0xffff;
	v34 =	vmul.u32 $0xFFFFFFEC, v4  }
0x33: {  	v7 =	vmov s22;
	v2 =	vsub.s32 $0x0, v2  }
0x34: {  	vm0 =	veq.s32 v7, v0;
	vm1 =	vne.s32 v34, v2  }
0x35: {  	vm0 =	vmand vm0, vm1  }
0x36: {  	v2 =	vsel vm0, $0xFFFFFFFF, v1;
	v35 =	vshrl.u32 v6, $0x7;
	v36 =	vand.u32 $0x7F, v6  }
0x37: {  	v3 =	vshll.u32 v3, $0x7;
	v2 =	vadd.s32 v2, v4;
	v4 =	vmul.u32 $0x1F400, v35  }
0x38: {  	v3 =	vor.u32 v3, v36  }
0x39: {  	v3 =	vadd.s32 v4, v3  }
0x3a: {  	s31 =	sadd.s32 $0x10, s30;
	[tilespmem:s30+$0x0] =	vst v3  }
0x3b: {  	v3 =	vld [tilespmem:s31+$0x0]  }
0x3c: {  	v2 =	vld.idx.msk [tilespmem:v2+s9+$0x0], $0xffff;
	_ =	sdelay $0x3  }
0x3d: {  	v37 =	vshrl.u32 v3, $0x7  }
0x3e: {  	v3 =	vand.u32 $0x7F, v3;
	v4 =	vmul.u32 $0x1F400, v37;
	v2 =	vshll.u32 v2, $0x7  }
0x3f: {  	v2 =	vor.u32 v2, v3  }
0x40: {  	v2 =	vadd.s32 v4, v2  }
0x41: {  	[tilespmem:s31+$0x0] =	vst v2  }
0x42: {  	[tilespmem:s11], [sflag:$0x1] =	stream.indirect.gather [hbm4b:s3+s10], $0x1, s2, s10, $0xb8;
	[tilespmem:$0x530] =	vst v63  }
0x43: {  	_ = 	snop  }
0x44: {  	[tilespmem:s12], [sflag:$0x1] =	stream.indirect.gather [hbm4b:s3+s10], $0x1, s10, s10, $0xb8;
	[tilespmem:$0x530] =	vst v63  }
0x45: {  	_ = 	snop  }
0x46: {  	[tilespmem:s14], [sflag:$0x1] =	stream.indirect.gather [hbm4b:s3+s10], $0x1, s13, s10, $0xb8;
	[tilespmem:$0x530] =	vst v63  }
0x47: {  	_ = 	snop  }
0x48: {  	[tilespmem:s16], [sflag:$0x1] =	stream.indirect.gather [hbm4b:s3+s10], $0x1, s15, s10, $0xb8;
	[tilespmem:$0x530] =	vst v63  }
0x49: {  	_ = 	snop  }
0x4a: {  	[tilespmem:s18], [sflag:$0x1] =	stream.indirect.gather [hbm4b:s3+s10], $0x1, s17, s10, $0xb8;
	[tilespmem:$0x530] =	vst v63  }
0x4b: {  	_ =	swait.ge [sflag:s19], $0x80  }
0x4c: {  	[sflag:s19] =	ssyncset.done $0x0  }
0x4d: {  	[sflag:s19] =	ssyncadd.s32 $0xFFFFFF80  }
0x4e: {  	_ =	swait.ge [sflag:s19], $0x80  }
0x4f: {  	[sflag:s19] =	ssyncset.done $0x0  }
0x50: {  	[sflag:s19] =	ssyncadd.s32 $0xFFFFFF80  }
0x51: {  	_ =	swait.ge [sflag:s19], $0x80  }
0x52: {  	[sflag:s19] =	ssyncset.done $0x0  }
0x53: {  	[sflag:s19] =	ssyncadd.s32 $0xFFFFFF80  }
0x54: {  	_ =	swait.ge [sflag:s19], $0x80  }
0x55: {  	[sflag:s19] =	ssyncset.done $0x0  }
0x56: {  	[sflag:s19] =	ssyncadd.s32 $0xFFFFFF80  }
0x57: {  	_ =	swait.ge [sflag:s19], $0x80  }
0x58: {  	[sflag:s19] =	ssyncset.done $0x0  }
0x59: {  	[sflag:s19] =	ssyncadd.s32 $0xFFFFFF80  }
0x5a: {  	v2 =	vld [tilespmem:$0x2A0];
	_ =	sdelay $0x1  }
0x5b: {  	v3 =	vld [tilespmem:$0x2B0];
	_ =	sdelay $0x1  }
0x5c: {  	v38 =	vld [tilespmem:$0x2C0]  }
0x5d: {  	v2 =	vadd.f32 $0.0e+00, v2  }
0x5e: {  	v39 =	vld [tilespmem:$0x2D0]  }
0x5f: {  	v2 =	vadd.f32 v3, v2  }
0x60: {  	v3 =	vld [tilespmem:$0x2E0]  }
0x61: {  	v2 =	vadd.f32 v38, v2  }
0x62: {  	v40 =	vld [tilespmem:$0x2F0]  }
0x63: {  	v2 =	vadd.f32 v39, v2  }
0x64: {  	v41 =	vld [tilespmem:$0x300]  }
0x65: {  	v2 =	vadd.f32 v3, v2  }
0x66: {  	v3 =	vld [tilespmem:$0x310]  }
0x67: {  	v2 =	vadd.f32 v40, v2  }
0x68: {  	v42 =	vld [tilespmem:$0x320]  }
0x69: {  	v2 =	vadd.f32 v41, v2  }
0x6a: {  	v43 =	vld [tilespmem:$0x330]  }
0x6b: {  	v2 =	vadd.f32 v3, v2  }
0x6c: {  	v3 =	vld [tilespmem:$0x340]  }
0x6d: {  	v2 =	vadd.f32 v42, v2  }
0x6e: {  	v44 =	vld [tilespmem:$0x350]  }
0x6f: {  	v2 =	vadd.f32 v43, v2  }
0x70: {  	v45 =	vld [tilespmem:$0x360]  }
0x71: {  	v2 =	vadd.f32 v3, v2  }
0x72: {  	v3 =	vld [tilespmem:$0x370]  }
0x73: {  	v2 =	vadd.f32 v44, v2  }
0x74: {  	v46 =	vld [tilespmem:$0x380]  }
0x75: {  	v2 =	vadd.f32 v45, v2  }
0x76: {  	v47 =	vld [tilespmem:$0x390]  }
0x77: {  	v2 =	vadd.f32 v3, v2  }
0x78: {  	v3 =	vld [tilespmem:$0x3A0]  }
0x79: {  	v2 =	vadd.f32 v46, v2  }
0x7a: {  	v48 =	vld [tilespmem:$0x3B0]  }
0x7b: {  	v2 =	vadd.f32 v47, v2  }
0x7c: {  	v49 =	vld [tilespmem:$0x3C0]  }
0x7d: {  	v2 =	vadd.f32 v3, v2  }
0x7e: {  	v3 =	vld [tilespmem:$0x3D0]  }
0x7f: {  	v2 =	vadd.f32 v48, v2  }
0x80: {  	v50 =	vld [tilespmem:$0x3E0]  }
0x81: {  	v2 =	vadd.f32 v49, v2  }
0x82: {  	v51 =	vld [tilespmem:$0x3F0]  }
0x83: {  	v2 =	vadd.f32 v3, v2  }
0x84: {  	v3 =	vld [tilespmem:$0x400]  }
0x85: {  	v2 =	vadd.f32 v50, v2  }
0x86: {  	v52 =	vld [tilespmem:$0x410]  }
0x87: {  	v2 =	vadd.f32 v51, v2  }
0x88: {  	v53 =	vld [tilespmem:$0x420]  }
0x89: {  	v2 =	vadd.f32 v3, v2  }
0x8a: {  	v3 =	vld [tilespmem:$0x430]  }
0x8b: {  	v2 =	vadd.f32 v52, v2  }
0x8c: {  	v54 =	vld [tilespmem:$0x440]  }
0x8d: {  	v2 =	vadd.f32 v53, v2  }
0x8e: {  	v55 =	vld [tilespmem:$0x450]  }
0x8f: {  	v2 =	vadd.f32 v3, v2  }
0x90: {  	v3 =	vld [tilespmem:$0x460]  }
0x91: {  	v2 =	vadd.f32 v54, v2  }
0x92: {  	v56 =	vld [tilespmem:$0x470]  }
0x93: {  	v2 =	vadd.f32 v55, v2  }
0x94: {  	v57 =	vld [tilespmem:$0x480]  }
0x95: {  	v2 =	vadd.f32 v3, v2  }
0x96: {  	v3 =	vld [tilespmem:$0x490]  }
0x97: {  	v2 =	vadd.f32 v56, v2  }
0x98: {  	v58 =	vld [tilespmem:$0x4A0]  }
0x99: {  	v2 =	vadd.f32 v57, v2  }
0x9a: {  	v59 =	vld [tilespmem:$0x4B0]  }
0x9b: {  	v2 =	vadd.f32 v3, v2  }
0x9c: {  	v3 =	vld [tilespmem:$0x4C0]  }
0x9d: {  	v2 =	vadd.f32 v58, v2  }
0x9e: {  	v60 =	vld [tilespmem:$0x4D0]  }
0x9f: {  	v2 =	vadd.f32 v59, v2  }
0xa0: {  	v61 =	vld [tilespmem:$0x4E0]  }
0xa1: {  	v2 =	vadd.f32 v3, v2  }
0xa2: {  	v3 =	vld [tilespmem:$0x4F0]  }
0xa3: {  	v2 =	vadd.f32 v60, v2  }
0xa4: {  	v62 =	vld [tilespmem:$0x500]  }
0xa5: {  	v2 =	vadd.f32 v61, v2  }
0xa6: {  	v63 =	vld [tilespmem:$0x510]  }
0xa7: {  	v2 =	vadd.f32 v3, v2;
	_ =	sdelay $0x1  }
0xa8: {  	v2 =	vadd.f32 v62, v2;
	_ =	sdelay $0x1  }
0xa9: {  	s21 =	sadd.s32 $0x1, s21;
	v2 =	vadd.f32 v63, v2  }
0xaa: {  	p0 =	sne.s32 s21, s7  }
.Ltmp1:
0xab: {  	[tilespmem:$0x520] =	vst v2;
	(pc) =	sbr.rel @p0 .LBB2_1-.Ltmp1, $4  }
0xac: {  	[hbm4b:s6+s2] =	stream.linear.scatter [tilespmem:s20], [sflag:$0x2], $0x10, $0x38;
	[tilespmem:$0x530] =	vst v63  }
0xad: {  	_ =	swait.ge [sflag:s8], $0x10  }
0xae: {  	[sflag:s8] =	ssyncset.done $0x0  }
0xaf: {  	[sflag:s8] =	ssyncadd.s32 $0xFFFFFFF0  }
0xb0: {  	_ =	sfence.sel $0x180000  }
0xb1: {  	[bflag:$0x0] =	sbarrier.arrive $0xFFFF  }
0xb2: {  	p0 =	sne.s32 s0, $0x0;
	_ =	strace $0x90000047  }
0xb3: {  	s0 =	sadd.s32 @!p0 $0x100000, s1;
	[bflag:$0x2] =	sbarrier.arrive $0xFFFF  }
0xb4: {  	[sflag:s0] =	ssyncadd.tile.s32 @!p0 $0x1;
	_ =	shalt  }
.Lfunc_end2:
_tile_overlayer_lowered:
.L_overlay_start_2:
0xb5: {  	(tag) =	ssettag $0x2  }
0xb6: {  	s0 =	rddreg [dreg:$0x0];
	s2 =	stileid.u32  }
0xb7: {  	s1 =	rddreg [dreg:$0x1];
	p0 =	sne.s32 s2, $0x0  }
0xb8: {  	s3 =	rddreg [dreg:$0x2];
	[bflag:$0x3] =	sbarrier.arrive $0xFFFF;
	s2 =	simm.s32 @!p0 $0x1C02  }
0xb9: {  	[timem:s3], [sflag:s2] =	dma.local @!p0 [hbm:s0], s1  }
0xba: {  	s0 =	simm.s32 @!p0 $0x2  }
0xbb: {  	_ =	swait.ge @!p0 [sflag:s0], s1  }
0xbc: {  	s1 =	ssub.s32 @!p0 $0x0, s1;
	[sflag:s0] =	ssyncset.done @!p0 $0x0  }
0xbd: {  	[sflag:s0] =	ssyncadd.s32 @!p0 s1  }
0xbe: {  	[bflag:$0x3] =	sbarrier.arrive $0xFFFF  }
0xbf: {  	_ =	shalt  }

</sc_bundles>
